<compile_context>
chip_gen: v7x
topology: tpu7x:2x2x1
jax: 0.10.2.dev20260603
libtpu: 0.0.44.dev20260713+nightly
codegen_flags: <defaults>
</compile_context>

<pallas_src>
import functools

import jax
import jax.numpy as jnp
from jax import lax
from jax.experimental import pallas as pl
from jax.experimental.pallas import tpu as pltpu
from jax.experimental.pallas import tpu_sc as plsc

D = 64
C = 128
S = 200
NC = 2
NS = 16
NW = NC * NS
G1 = 128
G2 = S - G1
LANES = 16
VB = 32768
SHIFT_H = (VB // 2).bit_length() - 1
CH = C // 2


def _pack_rows(acc):
    lo = lax.convert_element_type(
        lax.bitcast_convert_type(acc[:, :CH].astype(jnp.bfloat16),
                                 jnp.uint16), jnp.uint32)
    hi = lax.convert_element_type(
        lax.bitcast_convert_type(acc[:, CH:].astype(jnp.bfloat16),
                                 jnp.uint16), jnp.uint32)
    return lax.bitcast_convert_type(
        lax.bitwise_or(lax.shift_left(hi, jnp.uint32(16)), lo), jnp.int32)


def _project_body(et_ref, w_ref, b_ref, o_ref):
    acc = lax.dot_general(
        et_ref[...].astype(jnp.bfloat16), w_ref[...].astype(jnp.bfloat16),
        (((0,), (1,)), ((), ())), preferred_element_type=jnp.float32)
    acc = acc + b_ref[...]
    o_ref[...] = lax.concatenate(
        [_pack_rows(acc[:VB // 2, :]), _pack_rows(acc[VB // 2:, :])],
        dimension=1)


def _project(table_t, W, b):
    vocab = table_t.shape[1]
    nblk = pl.cdiv(vocab, VB)
    return pl.pallas_call(
        _project_body,
        grid=(nblk,),
        in_specs=[
            pl.BlockSpec((D, VB), lambda i: (0, i)),
            pl.BlockSpec((C, D), lambda i: (0, 0)),
            pl.BlockSpec((1, C), lambda i: (0, 0)),
        ],
        out_specs=pl.BlockSpec((VB // 2, C), lambda i: (i, 0)),
        out_shape=jax.ShapeDtypeStruct((nblk * (VB // 2), C), jnp.int32),
        compiler_params=pltpu.CompilerParams(
            vmem_limit_bytes=128 * 1024 * 1024),
    )(table_t, W, b.reshape(1, C))


def _pool_body(tok_hbm, p_hbm, out_hbm, idx_v, bufa, bufb, pooled, sema, semb):
    cid = lax.axis_index("c")
    sid = lax.axis_index("s")
    wid = cid * NS + sid
    rows = pooled.shape[0]
    base = wid * rows
    pltpu.sync_copy(tok_hbm.at[pl.ds(base * S, rows * S)], idx_v)

    def remap(k, carry):
        for q in range(4):
            off = (k * 4 + q) * LANES
            x = idx_v[pl.ds(off, LANES)]
            u = lax.bitwise_and(x, jnp.int32(VB - 1))
            nx = (x - u + 2 * lax.bitwise_and(u, jnp.int32(VB // 2 - 1))
                  + lax.bitwise_and(lax.shift_right_logical(u, SHIFT_H),
                                    jnp.int32(1)))
            idx_v[pl.ds(off, LANES)] = nx
        return carry

    lax.fori_loop(0, rows * S // (4 * LANES), remap, 0)

    inv = jnp.float32(1.0 / S)

    def issue(r, buf, sem):
        o = pl.multiple_of(r * S, 8)
        pltpu.async_copy(p_hbm.at[idx_v.at[pl.ds(o, G1)]],
                         buf.at[pl.ds(0, G1)], sem)
        pltpu.async_copy(p_hbm.at[idx_v.at[pl.ds(o + G1, G2)]],
                         buf.at[pl.ds(G1, G2)], sem)

    def drain(r, buf, sem):
        o = pl.multiple_of(r * S, 8)
        pltpu.make_async_copy(p_hbm.at[idx_v.at[pl.ds(o, G1)]],
                              buf.at[pl.ds(0, G1)], sem).wait()
        pltpu.make_async_copy(p_hbm.at[idx_v.at[pl.ds(o + G1, G2)]],
                              buf.at[pl.ds(G1, G2)], sem).wait()

    def accum(r, buf):
        def acc_body(i, accs):
            cur = accs
            for u in range(8):
                t = i * 8 + u
                new = []
                for m in range(CH // LANES):
                    x = buf[t, pl.ds(m * LANES, LANES)]
                    lo = lax.bitcast_convert_type(
                        lax.shift_left(x, jnp.int32(16)), jnp.float32)
                    hi = lax.bitcast_convert_type(
                        lax.bitwise_and(x, jnp.int32(-65536)), jnp.float32)
                    new.append(cur[2 * m] + lo)
                    new.append(cur[2 * m + 1] + hi)
                cur = tuple(new)
            return cur

        z = jnp.zeros((LANES,), jnp.float32)
        accs = lax.fori_loop(0, S // 8, acc_body, (z,) * (C // LANES))
        for m in range(CH // LANES):
            pooled[r, pl.ds(m * LANES, LANES)] = accs[2 * m] * inv
            pooled[r, pl.ds(CH + m * LANES, LANES)] = accs[2 * m + 1] * inv

    issue(0, bufa, sema)

    def pair_body(rr, carry):
        r0 = rr * 2
        issue(r0 + 1, bufb, semb)
        drain(r0, bufa, sema)
        accum(r0, bufa)

        @pl.when(rr < rows // 2 - 1)
        def _():
            issue(r0 + 2, bufa, sema)

        drain(r0 + 1, bufb, semb)
        accum(r0 + 1, bufb)
        return carry

    lax.fori_loop(0, rows // 2, pair_body, 0)
    pltpu.sync_copy(pooled, out_hbm.at[pl.ds(base, rows)])


def _pool(tokens_flat, P):
    batch = tokens_flat.shape[0] // S
    rows = batch // NW
    mesh = plsc.VectorSubcoreMesh(core_axis_name="c", subcore_axis_name="s")
    f = pl.kernel(
        _pool_body,
        mesh=mesh,
        compiler_params=pltpu.CompilerParams(use_tc_tiling_on_sc=False),
        out_type=jax.ShapeDtypeStruct((batch, C), jnp.float32),
        scratch_types=[
            pltpu.VMEM((rows * S,), jnp.int32),
            pltpu.VMEM((S, CH), jnp.int32),
            pltpu.VMEM((S, CH), jnp.int32),
            pltpu.VMEM((rows, C), jnp.float32),
            pltpu.SemaphoreType.DMA,
            pltpu.SemaphoreType.DMA,
        ],
    )
    return f(tokens_flat, P)


def kernel(utteranceTokens, embedding_table, W, b):
    batch = utteranceTokens.shape[0]
    Q = _project(embedding_table.T, W, b)
    P = Q.reshape(Q.shape[0] * 2, CH)
    return _pool(utteranceTokens.reshape(batch * S), P)

# --- scband reference (transcript-rebuilt; emitter-appended) ---
"""Pipeline reference for scband-simple-classifier-22694607192368 (READ-ONLY COPY).

The authoritative reference and input builder live on the scoring server;
editing this copy changes nothing except your own understanding.
"""

import jax, jax.numpy as jnp
import numpy as np

VOCAB = 1000000
EMBED_DIM = 64
NUM_CLASSES = 128
BATCH = 4096
SEQ_LEN = 200

def setup_inputs(seed: int = 0) -> dict:
    key = jax.random.key(seed)
    k_tok, k_emb, k_w, k_b = jax.random.split(key, 4)
    utteranceTokens = jax.random.randint(k_tok, (BATCH, SEQ_LEN), 0, VOCAB, dtype=jnp.int64 if jax.config.jax_enable_x64 else jnp.int32).astype(jnp.int32)
    embedding_table = jax.random.normal(k_emb, (VOCAB, EMBED_DIM), dtype=jnp.float32)
    W = jax.random.normal(k_w, (NUM_CLASSES, EMBED_DIM), dtype=jnp.float32) * (1.0 / np.sqrt(EMBED_DIM))
    b = jax.random.normal(k_b, (NUM_CLASSES,), dtype=jnp.float32) * 0.01
    return {"utteranceTokens": utteranceTokens, "embedding_table": embedding_table, "W": W, "b": b}

def reference(utteranceTokens, embedding_table, W, b):
    # embeddings: (batch, seq_len, embed_dim) via gather
    embeddings = jnp.take(embedding_table, utteranceTokens, axis=0)
    # mean over seq_len
    utterance = embeddings.mean(axis=1)
    # linear: (batch, num_classes)
    output = utterance @ W.T + b
    return output

if __name__ == "__main__":
    import jax
    _d = setup_inputs()
    print(jax.jit(kernel)(*tuple(_d.values())))

</pallas_src>

<mosaic_0001>
#map = affine_map<(d0, d1) -> (0)>
#map1 = affine_map<(d0, d1) -> (0, 0)>
module attributes {stable_mosaic.version = 14 : i64} {
  func.func @_pool_body(%arg0: i32, %arg1: i32, %arg2: memref<819200xi32, #tpu.memory_space<hbm>>, %arg3: memref<1015808x64xi32, #tpu.memory_space<hbm>>, %arg4: memref<4096x128xf32, #tpu.memory_space<hbm>>, %arg5: memref<25600xi32, #tpu.memory_space<vmem>>, %arg6: memref<200x64xi32, #tpu.memory_space<vmem>>, %arg7: memref<200x64xi32, #tpu.memory_space<vmem>>, %arg8: memref<128x128xf32, #tpu.memory_space<vmem>>, %arg9: memref<!tpu.dma_semaphore, #tpu.memory_space<semaphore_mem>>, %arg10: memref<!tpu.dma_semaphore, #tpu.memory_space<semaphore_mem>>) attributes {dimension_semantics = [#tpu.dimension_semantics<core_parallel>, #tpu.dimension_semantics<subcore_parallel>], iteration_bounds = array<i64: 2, 16>, scalar_prefetch = 0 : i64, scratch_operands = 6 : i64, tpu.core_type = #tpu.core_type<sc_vector_subcore>, window_params = [{transform_indices = #map}, {transform_indices = #map1}, {transform_indices = #map1}]} {
    %mul3A = arith.constant 16 : i32
    %mul3A_0 = arith.muli %arg0, %mul3A : i32
    %add3A = arith.addi %mul3A_0, %arg1 : i32
    %mul3A_1 = arith.constant 128 : i32
    %mul3A_2 = arith.muli %add3A, %mul3A_1 : i32
    %mul3A_3 = arith.constant 200 : i32
    %mul3A_4 = arith.muli %mul3A_2, %mul3A_3 : i32
    "tpu.region"() ({
      %run_scoped3A = tpu.sem_alloc : memref<!tpu.dma_semaphore, #tpu.memory_space<semaphore_mem>>
      %dma_start3A_33 = tpu.memref_slice %arg2[%mul3A_4] : memref<819200xi32, #tpu.memory_space<hbm>> -> memref<25600xi32, #tpu.memory_space<hbm>>
      %dma_start3A_34 = tpu.memref_slice %arg2[%mul3A_4] : memref<819200xi32, #tpu.memory_space<hbm>> -> memref<25600xi32, #tpu.memory_space<hbm>>
      tpu.enqueue_dma source(%dma_start3A_34 : memref<25600xi32, #tpu.memory_space<hbm>>) target(%arg5 : memref<25600xi32, #tpu.memory_space<vmem>>) target_semaphore(%run_scoped3A : memref<!tpu.dma_semaphore, #tpu.memory_space<semaphore_mem>>)
      %dma_wait3A = tpu.memref_slice %arg2[%mul3A_4] : memref<819200xi32, #tpu.memory_space<hbm>> -> memref<25600xi32, #tpu.memory_space<hbm>>
      %dma_wait3A_35 = tpu.memref_slice %arg2[%mul3A_4] : memref<819200xi32, #tpu.memory_space<hbm>> -> memref<25600xi32, #tpu.memory_space<hbm>>
      tpu.wait_dma2 semaphore(%run_scoped3A : memref<!tpu.dma_semaphore, #tpu.memory_space<semaphore_mem>>) src(%dma_wait3A_35 : memref<25600xi32, #tpu.memory_space<hbm>>) dst(%arg5 : memref<25600xi32, #tpu.memory_space<vmem>>)
      tpu.yield
    }) : () -> ()
    %scan3A = arith.constant 0 : i32
    %scan3A_5 = arith.constant 0 : i32
    %scan3A_6 = arith.constant 400 : i32
    %scan3A_7 = arith.addi %scan3A_5, %scan3A_6 : i32
    %scan3A_8 = arith.constant 1 : i32
    scf.for %scan3A_33 = %scan3A_5 to %scan3A_7 step %scan3A_8  : i32 {
      %mul3A_34 = arith.constant 4 : i32
      %mul3A_35 = arith.muli %scan3A_33, %mul3A_34 : i32
      %add3A_36 = arith.constant 0 : i32
      %add3A_37 = arith.addi %mul3A_35, %add3A_36 : i32
      %mul3A_38 = arith.constant 16 : i32
      %mul3A_39 = arith.muli %add3A_37, %mul3A_38 : i32
      %get3A = arith.index_cast %mul3A_39 : i32 to index
      %get3A_40 = tpu.vector_load %arg5[%get3A] {strides = array<i32>} : memref<25600xi32, #tpu.memory_space<vmem>>, vector<16xi32>,
      %get3A_41 = vector.shape_cast %get3A_40 : vector<16xi32> to vector<16xi32>
      %and3A = arith.constant 32767 : i32
      %and3A_42 = vector.broadcast %and3A : i32 to vector<16xi32>
      %and3A_43 = arith.andi %get3A_41, %and3A_42 : vector<16xi32>
      %sub3A = arith.subi %get3A_41, %and3A_43 : vector<16xi32>
      %and3A_44 = arith.constant 16383 : i32
      %and3A_45 = vector.broadcast %and3A_44 : i32 to vector<16xi32>
      %and3A_46 = arith.andi %and3A_43, %and3A_45 : vector<16xi32>
      %mul3A_47 = arith.constant 2 : i32
      %mul3A_48 = vector.broadcast %mul3A_47 : i32 to vector<16xi32>
      %mul3A_49 = arith.muli %mul3A_48, %and3A_46 : vector<16xi32>
      %add3A_50 = arith.addi %sub3A, %mul3A_49 : vector<16xi32>
      %shift_right_logical3A = arith.constant 14 : i32
      %shift_right_logical3A_51 = vector.broadcast %shift_right_logical3A : i32 to vector<16xi32>
      %shift_right_logical3A_52 = arith.shrui %and3A_43, %shift_right_logical3A_51 : vector<16xi32>
      %and3A_53 = arith.constant 1 : i32
      %and3A_54 = vector.broadcast %and3A_53 : i32 to vector<16xi32>
      %and3A_55 = arith.andi %shift_right_logical3A_52, %and3A_54 : vector<16xi32>
      %add3A_56 = arith.addi %add3A_50, %and3A_55 : vector<16xi32>
      %swap3A = arith.index_cast %mul3A_39 : i32 to index
      %swap3A_57 = tpu.vector_load %arg5[%swap3A] {strides = array<i32>} : memref<25600xi32, #tpu.memory_space<vmem>>, vector<16xi32>,
      %swap3A_58 = vector.shape_cast %swap3A_57 : vector<16xi32> to vector<16xi32>
      %swap3A_59 = vector.shape_cast %add3A_56 : vector<16xi32> to vector<16xi32>
      tpu.vector_store %arg5[%swap3A], %swap3A_59 {strides = array<i32>} : memref<25600xi32, #tpu.memory_space<vmem>>, vector<16xi32>,
      %mul3A_60 = arith.constant 4 : i32
      %mul3A_61 = arith.muli %scan3A_33, %mul3A_60 : i32
      %add3A_62 = arith.constant 1 : i32
      %add3A_63 = arith.addi %mul3A_61, %add3A_62 : i32
      %mul3A_64 = arith.constant 16 : i32
      %mul3A_65 = arith.muli %add3A_63, %mul3A_64 : i32
      %get3A_66 = arith.index_cast %mul3A_65 : i32 to index
      %get3A_67 = tpu.vector_load %arg5[%get3A_66] {strides = array<i32>} : memref<25600xi32, #tpu.memory_space<vmem>>, vector<16xi32>,
      %get3A_68 = vector.shape_cast %get3A_67 : vector<16xi32> to vector<16xi32>
      %and3A_69 = arith.constant 32767 : i32
      %and3A_70 = vector.broadcast %and3A_69 : i32 to vector<16xi32>
      %and3A_71 = arith.andi %get3A_68, %and3A_70 : vector<16xi32>
      %sub3A_72 = arith.subi %get3A_68, %and3A_71 : vector<16xi32>
      %and3A_73 = arith.constant 16383 : i32
      %and3A_74 = vector.broadcast %and3A_73 : i32 to vector<16xi32>
      %and3A_75 = arith.andi %and3A_71, %and3A_74 : vector<16xi32>
      %mul3A_76 = arith.constant 2 : i32
      %mul3A_77 = vector.broadcast %mul3A_76 : i32 to vector<16xi32>
      %mul3A_78 = arith.muli %mul3A_77, %and3A_75 : vector<16xi32>
      %add3A_79 = arith.addi %sub3A_72, %mul3A_78 : vector<16xi32>
      %shift_right_logical3A_80 = arith.constant 14 : i32
      %shift_right_logical3A_81 = vector.broadcast %shift_right_logical3A_80 : i32 to vector<16xi32>
      %shift_right_logical3A_82 = arith.shrui %and3A_71, %shift_right_logical3A_81 : vector<16xi32>
      %and3A_83 = arith.constant 1 : i32
      %and3A_84 = vector.broadcast %and3A_83 : i32 to vector<16xi32>
      %and3A_85 = arith.andi %shift_right_logical3A_82, %and3A_84 : vector<16xi32>
      %add3A_86 = arith.addi %add3A_79, %and3A_85 : vector<16xi32>
      %swap3A_87 = arith.index_cast %mul3A_65 : i32 to index
      %swap3A_88 = tpu.vector_load %arg5[%swap3A_87] {strides = array<i32>} : memref<25600xi32, #tpu.memory_space<vmem>>, vector<16xi32>,
      %swap3A_89 = vector.shape_cast %swap3A_88 : vector<16xi32> to vector<16xi32>
      %swap3A_90 = vector.shape_cast %add3A_86 : vector<16xi32> to vector<16xi32>
      tpu.vector_store %arg5[%swap3A_87], %swap3A_90 {strides = array<i32>} : memref<25600xi32, #tpu.memory_space<vmem>>, vector<16xi32>,
      %mul3A_91 = arith.constant 4 : i32
      %mul3A_92 = arith.muli %scan3A_33, %mul3A_91 : i32
      %add3A_93 = arith.constant 2 : i32
      %add3A_94 = arith.addi %mul3A_92, %add3A_93 : i32
      %mul3A_95 = arith.constant 16 : i32
      %mul3A_96 = arith.muli %add3A_94, %mul3A_95 : i32
      %get3A_97 = arith.index_cast %mul3A_96 : i32 to index
      %get3A_98 = tpu.vector_load %arg5[%get3A_97] {strides = array<i32>} : memref<25600xi32, #tpu.memory_space<vmem>>, vector<16xi32>,
      %get3A_99 = vector.shape_cast %get3A_98 : vector<16xi32> to vector<16xi32>
      %and3A_100 = arith.constant 32767 : i32
      %and3A_101 = vector.broadcast %and3A_100 : i32 to vector<16xi32>
      %and3A_102 = arith.andi %get3A_99, %and3A_101 : vector<16xi32>
      %sub3A_103 = arith.subi %get3A_99, %and3A_102 : vector<16xi32>
      %and3A_104 = arith.constant 16383 : i32
      %and3A_105 = vector.broadcast %and3A_104 : i32 to vector<16xi32>
      %and3A_106 = arith.andi %and3A_102, %and3A_105 : vector<16xi32>
      %mul3A_107 = arith.constant 2 : i32
      %mul3A_108 = vector.broadcast %mul3A_107 : i32 to vector<16xi32>
      %mul3A_109 = arith.muli %mul3A_108, %and3A_106 : vector<16xi32>
      %add3A_110 = arith.addi %sub3A_103, %mul3A_109 : vector<16xi32>
      %shift_right_logical3A_111 = arith.constant 14 : i32
      %shift_right_logical3A_112 = vector.broadcast %shift_right_logical3A_111 : i32 to vector<16xi32>
      %shift_right_logical3A_113 = arith.shrui %and3A_102, %shift_right_logical3A_112 : vector<16xi32>
      %and3A_114 = arith.constant 1 : i32
      %and3A_115 = vector.broadcast %and3A_114 : i32 to vector<16xi32>
      %and3A_116 = arith.andi %shift_right_logical3A_113, %and3A_115 : vector<16xi32>
      %add3A_117 = arith.addi %add3A_110, %and3A_116 : vector<16xi32>
      %swap3A_118 = arith.index_cast %mul3A_96 : i32 to index
      %swap3A_119 = tpu.vector_load %arg5[%swap3A_118] {strides = array<i32>} : memref<25600xi32, #tpu.memory_space<vmem>>, vector<16xi32>,
      %swap3A_120 = vector.shape_cast %swap3A_119 : vector<16xi32> to vector<16xi32>
      %swap3A_121 = vector.shape_cast %add3A_117 : vector<16xi32> to vector<16xi32>
      tpu.vector_store %arg5[%swap3A_118], %swap3A_121 {strides = array<i32>} : memref<25600xi32, #tpu.memory_space<vmem>>, vector<16xi32>,
      %mul3A_122 = arith.constant 4 : i32
      %mul3A_123 = arith.muli %scan3A_33, %mul3A_122 : i32
      %add3A_124 = arith.constant 3 : i32
      %add3A_125 = arith.addi %mul3A_123, %add3A_124 : i32
      %mul3A_126 = arith.constant 16 : i32
      %mul3A_127 = arith.muli %add3A_125, %mul3A_126 : i32
      %get3A_128 = arith.index_cast %mul3A_127 : i32 to index
      %get3A_129 = tpu.vector_load %arg5[%get3A_128] {strides = array<i32>} : memref<25600xi32, #tpu.memory_space<vmem>>, vector<16xi32>,
      %get3A_130 = vector.shape_cast %get3A_129 : vector<16xi32> to vector<16xi32>
      %and3A_131 = arith.constant 32767 : i32
      %and3A_132 = vector.broadcast %and3A_131 : i32 to vector<16xi32>
      %and3A_133 = arith.andi %get3A_130, %and3A_132 : vector<16xi32>
      %sub3A_134 = arith.subi %get3A_130, %and3A_133 : vector<16xi32>
      %and3A_135 = arith.constant 16383 : i32
      %and3A_136 = vector.broadcast %and3A_135 : i32 to vector<16xi32>
      %and3A_137 = arith.andi %and3A_133, %and3A_136 : vector<16xi32>
      %mul3A_138 = arith.constant 2 : i32
      %mul3A_139 = vector.broadcast %mul3A_138 : i32 to vector<16xi32>
      %mul3A_140 = arith.muli %mul3A_139, %and3A_137 : vector<16xi32>
      %add3A_141 = arith.addi %sub3A_134, %mul3A_140 : vector<16xi32>
      %shift_right_logical3A_142 = arith.constant 14 : i32
      %shift_right_logical3A_143 = vector.broadcast %shift_right_logical3A_142 : i32 to vector<16xi32>
      %shift_right_logical3A_144 = arith.shrui %and3A_133, %shift_right_logical3A_143 : vector<16xi32>
      %and3A_145 = arith.constant 1 : i32
      %and3A_146 = vector.broadcast %and3A_145 : i32 to vector<16xi32>
      %and3A_147 = arith.andi %shift_right_logical3A_144, %and3A_146 : vector<16xi32>
      %add3A_148 = arith.addi %add3A_141, %and3A_147 : vector<16xi32>
      %swap3A_149 = arith.index_cast %mul3A_127 : i32 to index
      %swap3A_150 = tpu.vector_load %arg5[%swap3A_149] {strides = array<i32>} : memref<25600xi32, #tpu.memory_space<vmem>>, vector<16xi32>,
      %swap3A_151 = vector.shape_cast %swap3A_150 : vector<16xi32> to vector<16xi32>
      %swap3A_152 = vector.shape_cast %add3A_148 : vector<16xi32> to vector<16xi32>
      tpu.vector_store %arg5[%swap3A_149], %swap3A_152 {strides = array<i32>} : memref<25600xi32, #tpu.memory_space<vmem>>, vector<16xi32>,
    }
    %scan3A_9 = arith.constant 400 : i32
    %multiple_of3A = arith.constant 0 : i32
    %multiple_of3A_10 = tpu.assume_multiple %multiple_of3A, 8 : i32
    %dma_start3A = arith.constant 0 : i32
    %dma_start3A_11 = arith.constant 0 : i32
    %dma_start3A_12 = tpu.memref_slice %arg6[%dma_start3A, %dma_start3A_11] : memref<200x64xi32, #tpu.memory_space<vmem>> -> memref<128x64xi32, #tpu.memory_space<vmem>>
    %dma_start3A_13 = tpu.memref_slice %arg5[%multiple_of3A_10] : memref<25600xi32, #tpu.memory_space<vmem>> -> memref<128xi32, #tpu.memory_space<vmem>>
    %dma_start3A_14 = arith.constant 0 : i32
    %dma_start3A_15 = arith.constant 0 : i32
    %dma_start3A_16 = tpu.memref_slice %arg3[%dma_start3A_14, %dma_start3A_15] : memref<1015808x64xi32, #tpu.memory_space<hbm>> -> memref<1015808x64xi32, #tpu.memory_space<hbm>>
    tpu.enqueue_indirect_dma source(%dma_start3A_16 : memref<1015808x64xi32, #tpu.memory_space<hbm>>) target(%dma_start3A_12 : memref<128x64xi32, #tpu.memory_space<vmem>>) offsets(%dma_start3A_13 : memref<128xi32, #tpu.memory_space<vmem>>) semaphore(%arg9 : memref<!tpu.dma_semaphore, #tpu.memory_space<semaphore_mem>>)
    %add3A_17 = arith.constant 128 : i32
    %add3A_18 = arith.addi %multiple_of3A_10, %add3A_17 : i32
    %dma_start3A_19 = arith.constant 128 : i32
    %dma_start3A_20 = arith.constant 0 : i32
    %dma_start3A_21 = tpu.memref_slice %arg6[%dma_start3A_19, %dma_start3A_20] : memref<200x64xi32, #tpu.memory_space<vmem>> -> memref<72x64xi32, #tpu.memory_space<vmem>>
    %dma_start3A_22 = tpu.memref_slice %arg5[%add3A_18] : memref<25600xi32, #tpu.memory_space<vmem>> -> memref<72xi32, #tpu.memory_space<vmem>>
    %dma_start3A_23 = arith.constant 0 : i32
    %dma_start3A_24 = arith.constant 0 : i32
    %dma_start3A_25 = tpu.memref_slice %arg3[%dma_start3A_23, %dma_start3A_24] : memref<1015808x64xi32, #tpu.memory_space<hbm>> -> memref<1015808x64xi32, #tpu.memory_space<hbm>>
    tpu.enqueue_indirect_dma source(%dma_start3A_25 : memref<1015808x64xi32, #tpu.memory_space<hbm>>) target(%dma_start3A_21 : memref<72x64xi32, #tpu.memory_space<vmem>>) offsets(%dma_start3A_22 : memref<72xi32, #tpu.memory_space<vmem>>) semaphore(%arg9 : memref<!tpu.dma_semaphore, #tpu.memory_space<semaphore_mem>>)
    %scan3A_26 = arith.constant 0 : i32
    %scan3A_27 = arith.constant 5.000000e-03 : f32
    %scan3A_28 = arith.constant 0 : i32
    %scan3A_29 = arith.constant 64 : i32
    %scan3A_30 = arith.addi %scan3A_28, %scan3A_29 : i32
    %scan3A_31 = arith.constant 1 : i32
    scf.for %scan3A_33 = %scan3A_28 to %scan3A_30 step %scan3A_31  : i32 {
      %mul3A_34 = arith.constant 2 : i32
      %mul3A_35 = arith.muli %scan3A_33, %mul3A_34 : i32
      %add3A_36 = arith.constant 1 : i32
      %add3A_37 = arith.addi %mul3A_35, %add3A_36 : i32
      %mul3A_38 = arith.constant 200 : i32
      %mul3A_39 = arith.muli %add3A_37, %mul3A_38 : i32
      %multiple_of3A_40 = tpu.assume_multiple %mul3A_39, 8 : i32
      %dma_start3A_41 = arith.constant 0 : i32
      %dma_start3A_42 = arith.constant 0 : i32
      %dma_start3A_43 = tpu.memref_slice %arg7[%dma_start3A_41, %dma_start3A_42] : memref<200x64xi32, #tpu.memory_space<vmem>> -> memref<128x64xi32, #tpu.memory_space<vmem>>
      %dma_start3A_44 = tpu.memref_slice %arg5[%multiple_of3A_40] : memref<25600xi32, #tpu.memory_space<vmem>> -> memref<128xi32, #tpu.memory_space<vmem>>
      %dma_start3A_45 = arith.constant 0 : i32
      %dma_start3A_46 = arith.constant 0 : i32
      %dma_start3A_47 = tpu.memref_slice %arg3[%dma_start3A_45, %dma_start3A_46] : memref<1015808x64xi32, #tpu.memory_space<hbm>> -> memref<1015808x64xi32, #tpu.memory_space<hbm>>
      tpu.enqueue_indirect_dma source(%dma_start3A_47 : memref<1015808x64xi32, #tpu.memory_space<hbm>>) target(%dma_start3A_43 : memref<128x64xi32, #tpu.memory_space<vmem>>) offsets(%dma_start3A_44 : memref<128xi32, #tpu.memory_space<vmem>>) semaphore(%arg10 : memref<!tpu.dma_semaphore, #tpu.memory_space<semaphore_mem>>)
      %add3A_48 = arith.constant 128 : i32
      %add3A_49 = arith.addi %multiple_of3A_40, %add3A_48 : i32
      %dma_start3A_50 = arith.constant 128 : i32
      %dma_start3A_51 = arith.constant 0 : i32
      %dma_start3A_52 = tpu.memref_slice %arg7[%dma_start3A_50, %dma_start3A_51] : memref<200x64xi32, #tpu.memory_space<vmem>> -> memref<72x64xi32, #tpu.memory_space<vmem>>
      %dma_start3A_53 = tpu.memref_slice %arg5[%add3A_49] : memref<25600xi32, #tpu.memory_space<vmem>> -> memref<72xi32, #tpu.memory_space<vmem>>
      %dma_start3A_54 = arith.constant 0 : i32
      %dma_start3A_55 = arith.constant 0 : i32
      %dma_start3A_56 = tpu.memref_slice %arg3[%dma_start3A_54, %dma_start3A_55] : memref<1015808x64xi32, #tpu.memory_space<hbm>> -> memref<1015808x64xi32, #tpu.memory_space<hbm>>
      tpu.enqueue_indirect_dma source(%dma_start3A_56 : memref<1015808x64xi32, #tpu.memory_space<hbm>>) target(%dma_start3A_52 : memref<72x64xi32, #tpu.memory_space<vmem>>) offsets(%dma_start3A_53 : memref<72xi32, #tpu.memory_space<vmem>>) semaphore(%arg10 : memref<!tpu.dma_semaphore, #tpu.memory_space<semaphore_mem>>)
      %mul3A_57 = arith.constant 200 : i32
      %mul3A_58 = arith.muli %mul3A_35, %mul3A_57 : i32
      %multiple_of3A_59 = tpu.assume_multiple %mul3A_58, 8 : i32
      %dma_wait3A = arith.constant 0 : i32
      %dma_wait3A_60 = arith.constant 0 : i32
      %dma_wait3A_61 = tpu.memref_slice %arg6[%dma_wait3A, %dma_wait3A_60] : memref<200x64xi32, #tpu.memory_space<vmem>> -> memref<128x64xi32, #tpu.memory_space<vmem>>
      %dma_wait3A_62 = tpu.memref_slice %arg5[%multiple_of3A_59] : memref<25600xi32, #tpu.memory_space<vmem>> -> memref<128xi32, #tpu.memory_space<vmem>>
      %dma_wait3A_63 = arith.constant 0 : i32
      %dma_wait3A_64 = arith.constant 0 : i32
      %dma_wait3A_65 = tpu.memref_slice %arg3[%dma_wait3A_63, %dma_wait3A_64] : memref<1015808x64xi32, #tpu.memory_space<hbm>> -> memref<1015808x64xi32, #tpu.memory_space<hbm>>
      tpu.wait_indirect_dma semaphore(%arg9 : memref<!tpu.dma_semaphore, #tpu.memory_space<semaphore_mem>>) src(%dma_wait3A_65 : memref<1015808x64xi32, #tpu.memory_space<hbm>>) dst(%dma_wait3A_61 : memref<128x64xi32, #tpu.memory_space<vmem>>)
      %add3A_66 = arith.constant 128 : i32
      %add3A_67 = arith.addi %multiple_of3A_59, %add3A_66 : i32
      %dma_wait3A_68 = arith.constant 128 : i32
      %dma_wait3A_69 = arith.constant 0 : i32
      %dma_wait3A_70 = tpu.memref_slice %arg6[%dma_wait3A_68, %dma_wait3A_69] : memref<200x64xi32, #tpu.memory_space<vmem>> -> memref<72x64xi32, #tpu.memory_space<vmem>>
      %dma_wait3A_71 = tpu.memref_slice %arg5[%add3A_67] : memref<25600xi32, #tpu.memory_space<vmem>> -> memref<72xi32, #tpu.memory_space<vmem>>
      %dma_wait3A_72 = arith.constant 0 : i32
      %dma_wait3A_73 = arith.constant 0 : i32
      %dma_wait3A_74 = tpu.memref_slice %arg3[%dma_wait3A_72, %dma_wait3A_73] : memref<1015808x64xi32, #tpu.memory_space<hbm>> -> memref<1015808x64xi32, #tpu.memory_space<hbm>>
      tpu.wait_indirect_dma semaphore(%arg9 : memref<!tpu.dma_semaphore, #tpu.memory_space<semaphore_mem>>) src(%dma_wait3A_74 : memref<1015808x64xi32, #tpu.memory_space<hbm>>) dst(%dma_wait3A_70 : memref<72x64xi32, #tpu.memory_space<vmem>>)
      %broadcast_in_dim3A = arith.constant 0.000000e+00 : f32
      %broadcast_in_dim3A_75 = vector.broadcast %broadcast_in_dim3A : f32 to vector<16xf32>
      %scan3A_76 = arith.constant 0 : i32
      %scan3A_77 = arith.constant 25 : i32
      %scan3A_78 = arith.addi %scan3A_76, %scan3A_77 : i32
      %scan3A_79 = arith.constant 1 : i32
      %scan3A_80:8 = scf.for %scan3A_226 = %scan3A_76 to %scan3A_78 step %scan3A_79 iter_args(%scan3A_227 = %broadcast_in_dim3A_75, %scan3A_228 = %broadcast_in_dim3A_75, %scan3A_229 = %broadcast_in_dim3A_75, %scan3A_230 = %broadcast_in_dim3A_75, %scan3A_231 = %broadcast_in_dim3A_75, %scan3A_232 = %broadcast_in_dim3A_75, %scan3A_233 = %broadcast_in_dim3A_75, %scan3A_234 = %broadcast_in_dim3A_75) -> (vector<16xf32>, vector<16xf32>, vector<16xf32>, vector<16xf32>, vector<16xf32>, vector<16xf32>, vector<16xf32>, vector<16xf32>)  : i32 {
        %mul3A_235 = arith.constant 8 : i32
        %mul3A_236 = arith.muli %scan3A_226, %mul3A_235 : i32
        %add3A_237 = arith.constant 0 : i32
        %add3A_238 = arith.addi %mul3A_236, %add3A_237 : i32
        %get3A = arith.index_cast %add3A_238 : i32 to index
        %get3A_239 = arith.constant 0 : index
        %get3A_240 = tpu.vector_load %arg6[%get3A, %get3A_239] {strides = array<i32>} : memref<200x64xi32, #tpu.memory_space<vmem>>, vector<1x16xi32>,
        %get3A_241 = vector.shape_cast %get3A_240 : vector<1x16xi32> to vector<16xi32>
        %shift_left3A = arith.constant 16 : i32
        %shift_left3A_242 = vector.broadcast %shift_left3A : i32 to vector<16xi32>
        %shift_left3A_243 = arith.shli %get3A_241, %shift_left3A_242 : vector<16xi32>
        %bitcast_convert_type3A = tpu.bitcast %shift_left3A_243 : vector<16xi32> -> vector<16xf32>
        %and3A = arith.constant -65536 : i32
        %and3A_244 = vector.broadcast %and3A : i32 to vector<16xi32>
        %and3A_245 = arith.andi %get3A_241, %and3A_244 : vector<16xi32>
        %bitcast_convert_type3A_246 = tpu.bitcast %and3A_245 : vector<16xi32> -> vector<16xf32>
        %add3A_247 = arith.addf %scan3A_227, %bitcast_convert_type3A : vector<16xf32>
        %add3A_248 = arith.addf %scan3A_228, %bitcast_convert_type3A_246 : vector<16xf32>
        %get3A_249 = arith.index_cast %add3A_238 : i32 to index
        %get3A_250 = arith.constant 16 : index
        %get3A_251 = tpu.vector_load %arg6[%get3A_249, %get3A_250] {strides = array<i32>} : memref<200x64xi32, #tpu.memory_space<vmem>>, vector<1x16xi32>,
        %get3A_252 = vector.shape_cast %get3A_251 : vector<1x16xi32> to vector<16xi32>
        %shift_left3A_253 = arith.constant 16 : i32
        %shift_left3A_254 = vector.broadcast %shift_left3A_253 : i32 to vector<16xi32>
        %shift_left3A_255 = arith.shli %get3A_252, %shift_left3A_254 : vector<16xi32>
        %bitcast_convert_type3A_256 = tpu.bitcast %shift_left3A_255 : vector<16xi32> -> vector<16xf32>
        %and3A_257 = arith.constant -65536 : i32
        %and3A_258 = vector.broadcast %and3A_257 : i32 to vector<16xi32>
        %and3A_259 = arith.andi %get3A_252, %and3A_258 : vector<16xi32>
        %bitcast_convert_type3A_260 = tpu.bitcast %and3A_259 : vector<16xi32> -> vector<16xf32>
        %add3A_261 = arith.addf %scan3A_229, %bitcast_convert_type3A_256 : vector<16xf32>
        %add3A_262 = arith.addf %scan3A_230, %bitcast_convert_type3A_260 : vector<16xf32>
        %get3A_263 = arith.index_cast %add3A_238 : i32 to index
        %get3A_264 = arith.constant 32 : index
        %get3A_265 = tpu.vector_load %arg6[%get3A_263, %get3A_264] {strides = array<i32>} : memref<200x64xi32, #tpu.memory_space<vmem>>, vector<1x16xi32>,
        %get3A_266 = vector.shape_cast %get3A_265 : vector<1x16xi32> to vector<16xi32>
        %shift_left3A_267 = arith.constant 16 : i32
        %shift_left3A_268 = vector.broadcast %shift_left3A_267 : i32 to vector<16xi32>
        %shift_left3A_269 = arith.shli %get3A_266, %shift_left3A_268 : vector<16xi32>
        %bitcast_convert_type3A_270 = tpu.bitcast %shift_left3A_269 : vector<16xi32> -> vector<16xf32>
        %and3A_271 = arith.constant -65536 : i32
        %and3A_272 = vector.broadcast %and3A_271 : i32 to vector<16xi32>
        %and3A_273 = arith.andi %get3A_266, %and3A_272 : vector<16xi32>
        %bitcast_convert_type3A_274 = tpu.bitcast %and3A_273 : vector<16xi32> -> vector<16xf32>
        %add3A_275 = arith.addf %scan3A_231, %bitcast_convert_type3A_270 : vector<16xf32>
        %add3A_276 = arith.addf %scan3A_232, %bitcast_convert_type3A_274 : vector<16xf32>
        %get3A_277 = arith.index_cast %add3A_238 : i32 to index
        %get3A_278 = arith.constant 48 : index
        %get3A_279 = tpu.vector_load %arg6[%get3A_277, %get3A_278] {strides = array<i32>} : memref<200x64xi32, #tpu.memory_space<vmem>>, vector<1x16xi32>,
        %get3A_280 = vector.shape_cast %get3A_279 : vector<1x16xi32> to vector<16xi32>
        %shift_left3A_281 = arith.constant 16 : i32
        %shift_left3A_282 = vector.broadcast %shift_left3A_281 : i32 to vector<16xi32>
        %shift_left3A_283 = arith.shli %get3A_280, %shift_left3A_282 : vector<16xi32>
        %bitcast_convert_type3A_284 = tpu.bitcast %shift_left3A_283 : vector<16xi32> -> vector<16xf32>
        %and3A_285 = arith.constant -65536 : i32
        %and3A_286 = vector.broadcast %and3A_285 : i32 to vector<16xi32>
        %and3A_287 = arith.andi %get3A_280, %and3A_286 : vector<16xi32>
        %bitcast_convert_type3A_288 = tpu.bitcast %and3A_287 : vector<16xi32> -> vector<16xf32>
        %add3A_289 = arith.addf %scan3A_233, %bitcast_convert_type3A_284 : vector<16xf32>
        %add3A_290 = arith.addf %scan3A_234, %bitcast_convert_type3A_288 : vector<16xf32>
        %mul3A_291 = arith.constant 8 : i32
        %mul3A_292 = arith.muli %scan3A_226, %mul3A_291 : i32
        %add3A_293 = arith.constant 1 : i32
        %add3A_294 = arith.addi %mul3A_292, %add3A_293 : i32
        %get3A_295 = arith.index_cast %add3A_294 : i32 to index
        %get3A_296 = arith.constant 0 : index
        %get3A_297 = tpu.vector_load %arg6[%get3A_295, %get3A_296] {strides = array<i32>} : memref<200x64xi32, #tpu.memory_space<vmem>>, vector<1x16xi32>,
        %get3A_298 = vector.shape_cast %get3A_297 : vector<1x16xi32> to vector<16xi32>
        %shift_left3A_299 = arith.constant 16 : i32
        %shift_left3A_300 = vector.broadcast %shift_left3A_299 : i32 to vector<16xi32>
        %shift_left3A_301 = arith.shli %get3A_298, %shift_left3A_300 : vector<16xi32>
        %bitcast_convert_type3A_302 = tpu.bitcast %shift_left3A_301 : vector<16xi32> -> vector<16xf32>
        %and3A_303 = arith.constant -65536 : i32
        %and3A_304 = vector.broadcast %and3A_303 : i32 to vector<16xi32>
        %and3A_305 = arith.andi %get3A_298, %and3A_304 : vector<16xi32>
        %bitcast_convert_type3A_306 = tpu.bitcast %and3A_305 : vector<16xi32> -> vector<16xf32>
        %add3A_307 = arith.addf %add3A_247, %bitcast_convert_type3A_302 : vector<16xf32>
        %add3A_308 = arith.addf %add3A_248, %bitcast_convert_type3A_306 : vector<16xf32>
        %get3A_309 = arith.index_cast %add3A_294 : i32 to index
        %get3A_310 = arith.constant 16 : index
        %get3A_311 = tpu.vector_load %arg6[%get3A_309, %get3A_310] {strides = array<i32>} : memref<200x64xi32, #tpu.memory_space<vmem>>, vector<1x16xi32>,
        %get3A_312 = vector.shape_cast %get3A_311 : vector<1x16xi32> to vector<16xi32>
        %shift_left3A_313 = arith.constant 16 : i32
        %shift_left3A_314 = vector.broadcast %shift_left3A_313 : i32 to vector<16xi32>
        %shift_left3A_315 = arith.shli %get3A_312, %shift_left3A_314 : vector<16xi32>
        %bitcast_convert_type3A_316 = tpu.bitcast %shift_left3A_315 : vector<16xi32> -> vector<16xf32>
        %and3A_317 = arith.constant -65536 : i32
        %and3A_318 = vector.broadcast %and3A_317 : i32 to vector<16xi32>
        %and3A_319 = arith.andi %get3A_312, %and3A_318 : vector<16xi32>
        %bitcast_convert_type3A_320 = tpu.bitcast %and3A_319 : vector<16xi32> -> vector<16xf32>
        %add3A_321 = arith.addf %add3A_261, %bitcast_convert_type3A_316 : vector<16xf32>
        %add3A_322 = arith.addf %add3A_262, %bitcast_convert_type3A_320 : vector<16xf32>
        %get3A_323 = arith.index_cast %add3A_294 : i32 to index
        %get3A_324 = arith.constant 32 : index
        %get3A_325 = tpu.vector_load %arg6[%get3A_323, %get3A_324] {strides = array<i32>} : memref<200x64xi32, #tpu.memory_space<vmem>>, vector<1x16xi32>,
        %get3A_326 = vector.shape_cast %get3A_325 : vector<1x16xi32> to vector<16xi32>
        %shift_left3A_327 = arith.constant 16 : i32
        %shift_left3A_328 = vector.broadcast %shift_left3A_327 : i32 to vector<16xi32>
        %shift_left3A_329 = arith.shli %get3A_326, %shift_left3A_328 : vector<16xi32>
        %bitcast_convert_type3A_330 = tpu.bitcast %shift_left3A_329 : vector<16xi32> -> vector<16xf32>
        %and3A_331 = arith.constant -65536 : i32
        %and3A_332 = vector.broadcast %and3A_331 : i32 to vector<16xi32>
        %and3A_333 = arith.andi %get3A_326, %and3A_332 : vector<16xi32>
        %bitcast_convert_type3A_334 = tpu.bitcast %and3A_333 : vector<16xi32> -> vector<16xf32>
        %add3A_335 = arith.addf %add3A_275, %bitcast_convert_type3A_330 : vector<16xf32>
        %add3A_336 = arith.addf %add3A_276, %bitcast_convert_type3A_334 : vector<16xf32>
        %get3A_337 = arith.index_cast %add3A_294 : i32 to index
        %get3A_338 = arith.constant 48 : index
        %get3A_339 = tpu.vector_load %arg6[%get3A_337, %get3A_338] {strides = array<i32>} : memref<200x64xi32, #tpu.memory_space<vmem>>, vector<1x16xi32>,
        %get3A_340 = vector.shape_cast %get3A_339 : vector<1x16xi32> to vector<16xi32>
        %shift_left3A_341 = arith.constant 16 : i32
        %shift_left3A_342 = vector.broadcast %shift_left3A_341 : i32 to vector<16xi32>
        %shift_left3A_343 = arith.shli %get3A_340, %shift_left3A_342 : vector<16xi32>
        %bitcast_convert_type3A_344 = tpu.bitcast %shift_left3A_343 : vector<16xi32> -> vector<16xf32>
        %and3A_345 = arith.constant -65536 : i32
        %and3A_346 = vector.broadcast %and3A_345 : i32 to vector<16xi32>
        %and3A_347 = arith.andi %get3A_340, %and3A_346 : vector<16xi32>
        %bitcast_convert_type3A_348 = tpu.bitcast %and3A_347 : vector<16xi32> -> vector<16xf32>
        %add3A_349 = arith.addf %add3A_289, %bitcast_convert_type3A_344 : vector<16xf32>
        %add3A_350 = arith.addf %add3A_290, %bitcast_convert_type3A_348 : vector<16xf32>
        %mul3A_351 = arith.constant 8 : i32
        %mul3A_352 = arith.muli %scan3A_226, %mul3A_351 : i32
        %add3A_353 = arith.constant 2 : i32
        %add3A_354 = arith.addi %mul3A_352, %add3A_353 : i32
        %get3A_355 = arith.index_cast %add3A_354 : i32 to index
        %get3A_356 = arith.constant 0 : index
        %get3A_357 = tpu.vector_load %arg6[%get3A_355, %get3A_356] {strides = array<i32>} : memref<200x64xi32, #tpu.memory_space<vmem>>, vector<1x16xi32>,
        %get3A_358 = vector.shape_cast %get3A_357 : vector<1x16xi32> to vector<16xi32>
        %shift_left3A_359 = arith.constant 16 : i32
        %shift_left3A_360 = vector.broadcast %shift_left3A_359 : i32 to vector<16xi32>
        %shift_left3A_361 = arith.shli %get3A_358, %shift_left3A_360 : vector<16xi32>
        %bitcast_convert_type3A_362 = tpu.bitcast %shift_left3A_361 : vector<16xi32> -> vector<16xf32>
        %and3A_363 = arith.constant -65536 : i32
        %and3A_364 = vector.broadcast %and3A_363 : i32 to vector<16xi32>
        %and3A_365 = arith.andi %get3A_358, %and3A_364 : vector<16xi32>
        %bitcast_convert_type3A_366 = tpu.bitcast %and3A_365 : vector<16xi32> -> vector<16xf32>
        %add3A_367 = arith.addf %add3A_307, %bitcast_convert_type3A_362 : vector<16xf32>
        %add3A_368 = arith.addf %add3A_308, %bitcast_convert_type3A_366 : vector<16xf32>
        %get3A_369 = arith.index_cast %add3A_354 : i32 to index
        %get3A_370 = arith.constant 16 : index
        %get3A_371 = tpu.vector_load %arg6[%get3A_369, %get3A_370] {strides = array<i32>} : memref<200x64xi32, #tpu.memory_space<vmem>>, vector<1x16xi32>,
        %get3A_372 = vector.shape_cast %get3A_371 : vector<1x16xi32> to vector<16xi32>
        %shift_left3A_373 = arith.constant 16 : i32
        %shift_left3A_374 = vector.broadcast %shift_left3A_373 : i32 to vector<16xi32>
        %shift_left3A_375 = arith.shli %get3A_372, %shift_left3A_374 : vector<16xi32>
        %bitcast_convert_type3A_376 = tpu.bitcast %shift_left3A_375 : vector<16xi32> -> vector<16xf32>
        %and3A_377 = arith.constant -65536 : i32
        %and3A_378 = vector.broadcast %and3A_377 : i32 to vector<16xi32>
        %and3A_379 = arith.andi %get3A_372, %and3A_378 : vector<16xi32>
        %bitcast_convert_type3A_380 = tpu.bitcast %and3A_379 : vector<16xi32> -> vector<16xf32>
        %add3A_381 = arith.addf %add3A_321, %bitcast_convert_type3A_376 : vector<16xf32>
        %add3A_382 = arith.addf %add3A_322, %bitcast_convert_type3A_380 : vector<16xf32>
        %get3A_383 = arith.index_cast %add3A_354 : i32 to index
        %get3A_384 = arith.constant 32 : index
        %get3A_385 = tpu.vector_load %arg6[%get3A_383, %get3A_384] {strides = array<i32>} : memref<200x64xi32, #tpu.memory_space<vmem>>, vector<1x16xi32>,
        %get3A_386 = vector.shape_cast %get3A_385 : vector<1x16xi32> to vector<16xi32>
        %shift_left3A_387 = arith.constant 16 : i32
        %shift_left3A_388 = vector.broadcast %shift_left3A_387 : i32 to vector<16xi32>
        %shift_left3A_389 = arith.shli %get3A_386, %shift_left3A_388 : vector<16xi32>
        %bitcast_convert_type3A_390 = tpu.bitcast %shift_left3A_389 : vector<16xi32> -> vector<16xf32>
        %and3A_391 = arith.constant -65536 : i32
        %and3A_392 = vector.broadcast %and3A_391 : i32 to vector<16xi32>
        %and3A_393 = arith.andi %get3A_386, %and3A_392 : vector<16xi32>
        %bitcast_convert_type3A_394 = tpu.bitcast %and3A_393 : vector<16xi32> -> vector<16xf32>
        %add3A_395 = arith.addf %add3A_335, %bitcast_convert_type3A_390 : vector<16xf32>
        %add3A_396 = arith.addf %add3A_336, %bitcast_convert_type3A_394 : vector<16xf32>
        %get3A_397 = arith.index_cast %add3A_354 : i32 to index
        %get3A_398 = arith.constant 48 : index
        %get3A_399 = tpu.vector_load %arg6[%get3A_397, %get3A_398] {strides = array<i32>} : memref<200x64xi32, #tpu.memory_space<vmem>>, vector<1x16xi32>,
        %get3A_400 = vector.shape_cast %get3A_399 : vector<1x16xi32> to vector<16xi32>
        %shift_left3A_401 = arith.constant 16 : i32
        %shift_left3A_402 = vector.broadcast %shift_left3A_401 : i32 to vector<16xi32>
        %shift_left3A_403 = arith.shli %get3A_400, %shift_left3A_402 : vector<16xi32>
        %bitcast_convert_type3A_404 = tpu.bitcast %shift_left3A_403 : vector<16xi32> -> vector<16xf32>
        %and3A_405 = arith.constant -65536 : i32
        %and3A_406 = vector.broadcast %and3A_405 : i32 to vector<16xi32>
        %and3A_407 = arith.andi %get3A_400, %and3A_406 : vector<16xi32>
        %bitcast_convert_type3A_408 = tpu.bitcast %and3A_407 : vector<16xi32> -> vector<16xf32>
        %add3A_409 = arith.addf %add3A_349, %bitcast_convert_type3A_404 : vector<16xf32>
        %add3A_410 = arith.addf %add3A_350, %bitcast_convert_type3A_408 : vector<16xf32>
        %mul3A_411 = arith.constant 8 : i32
        %mul3A_412 = arith.muli %scan3A_226, %mul3A_411 : i32
        %add3A_413 = arith.constant 3 : i32
        %add3A_414 = arith.addi %mul3A_412, %add3A_413 : i32
        %get3A_415 = arith.index_cast %add3A_414 : i32 to index
        %get3A_416 = arith.constant 0 : index
        %get3A_417 = tpu.vector_load %arg6[%get3A_415, %get3A_416] {strides = array<i32>} : memref<200x64xi32, #tpu.memory_space<vmem>>, vector<1x16xi32>,
        %get3A_418 = vector.shape_cast %get3A_417 : vector<1x16xi32> to vector<16xi32>
        %shift_left3A_419 = arith.constant 16 : i32
        %shift_left3A_420 = vector.broadcast %shift_left3A_419 : i32 to vector<16xi32>
        %shift_left3A_421 = arith.shli %get3A_418, %shift_left3A_420 : vector<16xi32>
        %bitcast_convert_type3A_422 = tpu.bitcast %shift_left3A_421 : vector<16xi32> -> vector<16xf32>
        %and3A_423 = arith.constant -65536 : i32
        %and3A_424 = vector.broadcast %and3A_423 : i32 to vector<16xi32>
        %and3A_425 = arith.andi %get3A_418, %and3A_424 : vector<16xi32>
        %bitcast_convert_type3A_426 = tpu.bitcast %and3A_425 : vector<16xi32> -> vector<16xf32>
        %add3A_427 = arith.addf %add3A_367, %bitcast_convert_type3A_422 : vector<16xf32>
        %add3A_428 = arith.addf %add3A_368, %bitcast_convert_type3A_426 : vector<16xf32>
        %get3A_429 = arith.index_cast %add3A_414 : i32 to index
        %get3A_430 = arith.constant 16 : index
        %get3A_431 = tpu.vector_load %arg6[%get3A_429, %get3A_430] {strides = array<i32>} : memref<200x64xi32, #tpu.memory_space<vmem>>, vector<1x16xi32>,
        %get3A_432 = vector.shape_cast %get3A_431 : vector<1x16xi32> to vector<16xi32>
        %shift_left3A_433 = arith.constant 16 : i32
        %shift_left3A_434 = vector.broadcast %shift_left3A_433 : i32 to vector<16xi32>
        %shift_left3A_435 = arith.shli %get3A_432, %shift_left3A_434 : vector<16xi32>
        %bitcast_convert_type3A_436 = tpu.bitcast %shift_left3A_435 : vector<16xi32> -> vector<16xf32>
        %and3A_437 = arith.constant -65536 : i32
        %and3A_438 = vector.broadcast %and3A_437 : i32 to vector<16xi32>
        %and3A_439 = arith.andi %get3A_432, %and3A_438 : vector<16xi32>
        %bitcast_convert_type3A_440 = tpu.bitcast %and3A_439 : vector<16xi32> -> vector<16xf32>
        %add3A_441 = arith.addf %add3A_381, %bitcast_convert_type3A_436 : vector<16xf32>
        %add3A_442 = arith.addf %add3A_382, %bitcast_convert_type3A_440 : vector<16xf32>
        %get3A_443 = arith.index_cast %add3A_414 : i32 to index
        %get3A_444 = arith.constant 32 : index
        %get3A_445 = tpu.vector_load %arg6[%get3A_443, %get3A_444] {strides = array<i32>} : memref<200x64xi32, #tpu.memory_space<vmem>>, vector<1x16xi32>,
        %get3A_446 = vector.shape_cast %get3A_445 : vector<1x16xi32> to vector<16xi32>
        %shift_left3A_447 = arith.constant 16 : i32
        %shift_left3A_448 = vector.broadcast %shift_left3A_447 : i32 to vector<16xi32>
        %shift_left3A_449 = arith.shli %get3A_446, %shift_left3A_448 : vector<16xi32>
        %bitcast_convert_type3A_450 = tpu.bitcast %shift_left3A_449 : vector<16xi32> -> vector<16xf32>
        %and3A_451 = arith.constant -65536 : i32
        %and3A_452 = vector.broadcast %and3A_451 : i32 to vector<16xi32>
        %and3A_453 = arith.andi %get3A_446, %and3A_452 : vector<16xi32>
        %bitcast_convert_type3A_454 = tpu.bitcast %and3A_453 : vector<16xi32> -> vector<16xf32>
        %add3A_455 = arith.addf %add3A_395, %bitcast_convert_type3A_450 : vector<16xf32>
        %add3A_456 = arith.addf %add3A_396, %bitcast_convert_type3A_454 : vector<16xf32>
        %get3A_457 = arith.index_cast %add3A_414 : i32 to index
        %get3A_458 = arith.constant 48 : index
        %get3A_459 = tpu.vector_load %arg6[%get3A_457, %get3A_458] {strides = array<i32>} : memref<200x64xi32, #tpu.memory_space<vmem>>, vector<1x16xi32>,
        %get3A_460 = vector.shape_cast %get3A_459 : vector<1x16xi32> to vector<16xi32>
        %shift_left3A_461 = arith.constant 16 : i32
        %shift_left3A_462 = vector.broadcast %shift_left3A_461 : i32 to vector<16xi32>
        %shift_left3A_463 = arith.shli %get3A_460, %shift_left3A_462 : vector<16xi32>
        %bitcast_convert_type3A_464 = tpu.bitcast %shift_left3A_463 : vector<16xi32> -> vector<16xf32>
        %and3A_465 = arith.constant -65536 : i32
        %and3A_466 = vector.broadcast %and3A_465 : i32 to vector<16xi32>
        %and3A_467 = arith.andi %get3A_460, %and3A_466 : vector<16xi32>
        %bitcast_convert_type3A_468 = tpu.bitcast %and3A_467 : vector<16xi32> -> vector<16xf32>
        %add3A_469 = arith.addf %add3A_409, %bitcast_convert_type3A_464 : vector<16xf32>
        %add3A_470 = arith.addf %add3A_410, %bitcast_convert_type3A_468 : vector<16xf32>
        %mul3A_471 = arith.constant 8 : i32
        %mul3A_472 = arith.muli %scan3A_226, %mul3A_471 : i32
        %add3A_473 = arith.constant 4 : i32
        %add3A_474 = arith.addi %mul3A_472, %add3A_473 : i32
        %get3A_475 = arith.index_cast %add3A_474 : i32 to index
        %get3A_476 = arith.constant 0 : index
        %get3A_477 = tpu.vector_load %arg6[%get3A_475, %get3A_476] {strides = array<i32>} : memref<200x64xi32, #tpu.memory_space<vmem>>, vector<1x16xi32>,
        %get3A_478 = vector.shape_cast %get3A_477 : vector<1x16xi32> to vector<16xi32>
        %shift_left3A_479 = arith.constant 16 : i32
        %shift_left3A_480 = vector.broadcast %shift_left3A_479 : i32 to vector<16xi32>
        %shift_left3A_481 = arith.shli %get3A_478, %shift_left3A_480 : vector<16xi32>
        %bitcast_convert_type3A_482 = tpu.bitcast %shift_left3A_481 : vector<16xi32> -> vector<16xf32>
        %and3A_483 = arith.constant -65536 : i32
        %and3A_484 = vector.broadcast %and3A_483 : i32 to vector<16xi32>
        %and3A_485 = arith.andi %get3A_478, %and3A_484 : vector<16xi32>
        %bitcast_convert_type3A_486 = tpu.bitcast %and3A_485 : vector<16xi32> -> vector<16xf32>
        %add3A_487 = arith.addf %add3A_427, %bitcast_convert_type3A_482 : vector<16xf32>
        %add3A_488 = arith.addf %add3A_428, %bitcast_convert_type3A_486 : vector<16xf32>
        %get3A_489 = arith.index_cast %add3A_474 : i32 to index
        %get3A_490 = arith.constant 16 : index
        %get3A_491 = tpu.vector_load %arg6[%get3A_489, %get3A_490] {strides = array<i32>} : memref<200x64xi32, #tpu.memory_space<vmem>>, vector<1x16xi32>,
        %get3A_492 = vector.shape_cast %get3A_491 : vector<1x16xi32> to vector<16xi32>
        %shift_left3A_493 = arith.constant 16 : i32
        %shift_left3A_494 = vector.broadcast %shift_left3A_493 : i32 to vector<16xi32>
        %shift_left3A_495 = arith.shli %get3A_492, %shift_left3A_494 : vector<16xi32>
        %bitcast_convert_type3A_496 = tpu.bitcast %shift_left3A_495 : vector<16xi32> -> vector<16xf32>
        %and3A_497 = arith.constant -65536 : i32
        %and3A_498 = vector.broadcast %and3A_497 : i32 to vector<16xi32>
        %and3A_499 = arith.andi %get3A_492, %and3A_498 : vector<16xi32>
        %bitcast_convert_type3A_500 = tpu.bitcast %and3A_499 : vector<16xi32> -> vector<16xf32>
        %add3A_501 = arith.addf %add3A_441, %bitcast_convert_type3A_496 : vector<16xf32>
        %add3A_502 = arith.addf %add3A_442, %bitcast_convert_type3A_500 : vector<16xf32>
        %get3A_503 = arith.index_cast %add3A_474 : i32 to index
        %get3A_504 = arith.constant 32 : index
        %get3A_505 = tpu.vector_load %arg6[%get3A_503, %get3A_504] {strides = array<i32>} : memref<200x64xi32, #tpu.memory_space<vmem>>, vector<1x16xi32>,
        %get3A_506 = vector.shape_cast %get3A_505 : vector<1x16xi32> to vector<16xi32>
        %shift_left3A_507 = arith.constant 16 : i32
        %shift_left3A_508 = vector.broadcast %shift_left3A_507 : i32 to vector<16xi32>
        %shift_left3A_509 = arith.shli %get3A_506, %shift_left3A_508 : vector<16xi32>
        %bitcast_convert_type3A_510 = tpu.bitcast %shift_left3A_509 : vector<16xi32> -> vector<16xf32>
        %and3A_511 = arith.constant -65536 : i32
        %and3A_512 = vector.broadcast %and3A_511 : i32 to vector<16xi32>
        %and3A_513 = arith.andi %get3A_506, %and3A_512 : vector<16xi32>
        %bitcast_convert_type3A_514 = tpu.bitcast %and3A_513 : vector<16xi32> -> vector<16xf32>
        %add3A_515 = arith.addf %add3A_455, %bitcast_convert_type3A_510 : vector<16xf32>
        %add3A_516 = arith.addf %add3A_456, %bitcast_convert_type3A_514 : vector<16xf32>
        %get3A_517 = arith.index_cast %add3A_474 : i32 to index
        %get3A_518 = arith.constant 48 : index
        %get3A_519 = tpu.vector_load %arg6[%get3A_517, %get3A_518] {strides = array<i32>} : memref<200x64xi32, #tpu.memory_space<vmem>>, vector<1x16xi32>,
        %get3A_520 = vector.shape_cast %get3A_519 : vector<1x16xi32> to vector<16xi32>
        %shift_left3A_521 = arith.constant 16 : i32
        %shift_left3A_522 = vector.broadcast %shift_left3A_521 : i32 to vector<16xi32>
        %shift_left3A_523 = arith.shli %get3A_520, %shift_left3A_522 : vector<16xi32>
        %bitcast_convert_type3A_524 = tpu.bitcast %shift_left3A_523 : vector<16xi32> -> vector<16xf32>
        %and3A_525 = arith.constant -65536 : i32
        %and3A_526 = vector.broadcast %and3A_525 : i32 to vector<16xi32>
        %and3A_527 = arith.andi %get3A_520, %and3A_526 : vector<16xi32>
        %bitcast_convert_type3A_528 = tpu.bitcast %and3A_527 : vector<16xi32> -> vector<16xf32>
        %add3A_529 = arith.addf %add3A_469, %bitcast_convert_type3A_524 : vector<16xf32>
        %add3A_530 = arith.addf %add3A_470, %bitcast_convert_type3A_528 : vector<16xf32>
        %mul3A_531 = arith.constant 8 : i32
        %mul3A_532 = arith.muli %scan3A_226, %mul3A_531 : i32
        %add3A_533 = arith.constant 5 : i32
        %add3A_534 = arith.addi %mul3A_532, %add3A_533 : i32
        %get3A_535 = arith.index_cast %add3A_534 : i32 to index
        %get3A_536 = arith.constant 0 : index
        %get3A_537 = tpu.vector_load %arg6[%get3A_535, %get3A_536] {strides = array<i32>} : memref<200x64xi32, #tpu.memory_space<vmem>>, vector<1x16xi32>,
        %get3A_538 = vector.shape_cast %get3A_537 : vector<1x16xi32> to vector<16xi32>
        %shift_left3A_539 = arith.constant 16 : i32
        %shift_left3A_540 = vector.broadcast %shift_left3A_539 : i32 to vector<16xi32>
        %shift_left3A_541 = arith.shli %get3A_538, %shift_left3A_540 : vector<16xi32>
        %bitcast_convert_type3A_542 = tpu.bitcast %shift_left3A_541 : vector<16xi32> -> vector<16xf32>
        %and3A_543 = arith.constant -65536 : i32
        %and3A_544 = vector.broadcast %and3A_543 : i32 to vector<16xi32>
        %and3A_545 = arith.andi %get3A_538, %and3A_544 : vector<16xi32>
        %bitcast_convert_type3A_546 = tpu.bitcast %and3A_545 : vector<16xi32> -> vector<16xf32>
        %add3A_547 = arith.addf %add3A_487, %bitcast_convert_type3A_542 : vector<16xf32>
        %add3A_548 = arith.addf %add3A_488, %bitcast_convert_type3A_546 : vector<16xf32>
        %get3A_549 = arith.index_cast %add3A_534 : i32 to index
        %get3A_550 = arith.constant 16 : index
        %get3A_551 = tpu.vector_load %arg6[%get3A_549, %get3A_550] {strides = array<i32>} : memref<200x64xi32, #tpu.memory_space<vmem>>, vector<1x16xi32>,
        %get3A_552 = vector.shape_cast %get3A_551 : vector<1x16xi32> to vector<16xi32>
        %shift_left3A_553 = arith.constant 16 : i32
        %shift_left3A_554 = vector.broadcast %shift_left3A_553 : i32 to vector<16xi32>
        %shift_left3A_555 = arith.shli %get3A_552, %shift_left3A_554 : vector<16xi32>
        %bitcast_convert_type3A_556 = tpu.bitcast %shift_left3A_555 : vector<16xi32> -> vector<16xf32>
        %and3A_557 = arith.constant -65536 : i32
        %and3A_558 = vector.broadcast %and3A_557 : i32 to vector<16xi32>
        %and3A_559 = arith.andi %get3A_552, %and3A_558 : vector<16xi32>
        %bitcast_convert_type3A_560 = tpu.bitcast %and3A_559 : vector<16xi32> -> vector<16xf32>
        %add3A_561 = arith.addf %add3A_501, %bitcast_convert_type3A_556 : vector<16xf32>
        %add3A_562 = arith.addf %add3A_502, %bitcast_convert_type3A_560 : vector<16xf32>
        %get3A_563 = arith.index_cast %add3A_534 : i32 to index
        %get3A_564 = arith.constant 32 : index
        %get3A_565 = tpu.vector_load %arg6[%get3A_563, %get3A_564] {strides = array<i32>} : memref<200x64xi32, #tpu.memory_space<vmem>>, vector<1x16xi32>,
        %get3A_566 = vector.shape_cast %get3A_565 : vector<1x16xi32> to vector<16xi32>
        %shift_left3A_567 = arith.constant 16 : i32
        %shift_left3A_568 = vector.broadcast %shift_left3A_567 : i32 to vector<16xi32>
        %shift_left3A_569 = arith.shli %get3A_566, %shift_left3A_568 : vector<16xi32>
        %bitcast_convert_type3A_570 = tpu.bitcast %shift_left3A_569 : vector<16xi32> -> vector<16xf32>
        %and3A_571 = arith.constant -65536 : i32
        %and3A_572 = vector.broadcast %and3A_571 : i32 to vector<16xi32>
        %and3A_573 = arith.andi %get3A_566, %and3A_572 : vector<16xi32>
        %bitcast_convert_type3A_574 = tpu.bitcast %and3A_573 : vector<16xi32> -> vector<16xf32>
        %add3A_575 = arith.addf %add3A_515, %bitcast_convert_type3A_570 : vector<16xf32>
        %add3A_576 = arith.addf %add3A_516, %bitcast_convert_type3A_574 : vector<16xf32>
        %get3A_577 = arith.index_cast %add3A_534 : i32 to index
        %get3A_578 = arith.constant 48 : index
        %get3A_579 = tpu.vector_load %arg6[%get3A_577, %get3A_578] {strides = array<i32>} : memref<200x64xi32, #tpu.memory_space<vmem>>, vector<1x16xi32>,
        %get3A_580 = vector.shape_cast %get3A_579 : vector<1x16xi32> to vector<16xi32>
        %shift_left3A_581 = arith.constant 16 : i32
        %shift_left3A_582 = vector.broadcast %shift_left3A_581 : i32 to vector<16xi32>
        %shift_left3A_583 = arith.shli %get3A_580, %shift_left3A_582 : vector<16xi32>
        %bitcast_convert_type3A_584 = tpu.bitcast %shift_left3A_583 : vector<16xi32> -> vector<16xf32>
        %and3A_585 = arith.constant -65536 : i32
        %and3A_586 = vector.broadcast %and3A_585 : i32 to vector<16xi32>
        %and3A_587 = arith.andi %get3A_580, %and3A_586 : vector<16xi32>
        %bitcast_convert_type3A_588 = tpu.bitcast %and3A_587 : vector<16xi32> -> vector<16xf32>
        %add3A_589 = arith.addf %add3A_529, %bitcast_convert_type3A_584 : vector<16xf32>
        %add3A_590 = arith.addf %add3A_530, %bitcast_convert_type3A_588 : vector<16xf32>
        %mul3A_591 = arith.constant 8 : i32
        %mul3A_592 = arith.muli %scan3A_226, %mul3A_591 : i32
        %add3A_593 = arith.constant 6 : i32
        %add3A_594 = arith.addi %mul3A_592, %add3A_593 : i32
        %get3A_595 = arith.index_cast %add3A_594 : i32 to index
        %get3A_596 = arith.constant 0 : index
        %get3A_597 = tpu.vector_load %arg6[%get3A_595, %get3A_596] {strides = array<i32>} : memref<200x64xi32, #tpu.memory_space<vmem>>, vector<1x16xi32>,
        %get3A_598 = vector.shape_cast %get3A_597 : vector<1x16xi32> to vector<16xi32>
        %shift_left3A_599 = arith.constant 16 : i32
        %shift_left3A_600 = vector.broadcast %shift_left3A_599 : i32 to vector<16xi32>
        %shift_left3A_601 = arith.shli %get3A_598, %shift_left3A_600 : vector<16xi32>
        %bitcast_convert_type3A_602 = tpu.bitcast %shift_left3A_601 : vector<16xi32> -> vector<16xf32>
        %and3A_603 = arith.constant -65536 : i32
        %and3A_604 = vector.broadcast %and3A_603 : i32 to vector<16xi32>
        %and3A_605 = arith.andi %get3A_598, %and3A_604 : vector<16xi32>
        %bitcast_convert_type3A_606 = tpu.bitcast %and3A_605 : vector<16xi32> -> vector<16xf32>
        %add3A_607 = arith.addf %add3A_547, %bitcast_convert_type3A_602 : vector<16xf32>
        %add3A_608 = arith.addf %add3A_548, %bitcast_convert_type3A_606 : vector<16xf32>
        %get3A_609 = arith.index_cast %add3A_594 : i32 to index
        %get3A_610 = arith.constant 16 : index
        %get3A_611 = tpu.vector_load %arg6[%get3A_609, %get3A_610] {strides = array<i32>} : memref<200x64xi32, #tpu.memory_space<vmem>>, vector<1x16xi32>,
        %get3A_612 = vector.shape_cast %get3A_611 : vector<1x16xi32> to vector<16xi32>
        %shift_left3A_613 = arith.constant 16 : i32
        %shift_left3A_614 = vector.broadcast %shift_left3A_613 : i32 to vector<16xi32>
        %shift_left3A_615 = arith.shli %get3A_612, %shift_left3A_614 : vector<16xi32>
        %bitcast_convert_type3A_616 = tpu.bitcast %shift_left3A_615 : vector<16xi32> -> vector<16xf32>
        %and3A_617 = arith.constant -65536 : i32
        %and3A_618 = vector.broadcast %and3A_617 : i32 to vector<16xi32>
        %and3A_619 = arith.andi %get3A_612, %and3A_618 : vector<16xi32>
        %bitcast_convert_type3A_620 = tpu.bitcast %and3A_619 : vector<16xi32> -> vector<16xf32>
        %add3A_621 = arith.addf %add3A_561, %bitcast_convert_type3A_616 : vector<16xf32>
        %add3A_622 = arith.addf %add3A_562, %bitcast_convert_type3A_620 : vector<16xf32>
        %get3A_623 = arith.index_cast %add3A_594 : i32 to index
        %get3A_624 = arith.constant 32 : index
        %get3A_625 = tpu.vector_load %arg6[%get3A_623, %get3A_624] {strides = array<i32>} : memref<200x64xi32, #tpu.memory_space<vmem>>, vector<1x16xi32>,
        %get3A_626 = vector.shape_cast %get3A_625 : vector<1x16xi32> to vector<16xi32>
        %shift_left3A_627 = arith.constant 16 : i32
        %shift_left3A_628 = vector.broadcast %shift_left3A_627 : i32 to vector<16xi32>
        %shift_left3A_629 = arith.shli %get3A_626, %shift_left3A_628 : vector<16xi32>
        %bitcast_convert_type3A_630 = tpu.bitcast %shift_left3A_629 : vector<16xi32> -> vector<16xf32>
        %and3A_631 = arith.constant -65536 : i32
        %and3A_632 = vector.broadcast %and3A_631 : i32 to vector<16xi32>
        %and3A_633 = arith.andi %get3A_626, %and3A_632 : vector<16xi32>
        %bitcast_convert_type3A_634 = tpu.bitcast %and3A_633 : vector<16xi32> -> vector<16xf32>
        %add3A_635 = arith.addf %add3A_575, %bitcast_convert_type3A_630 : vector<16xf32>
        %add3A_636 = arith.addf %add3A_576, %bitcast_convert_type3A_634 : vector<16xf32>
        %get3A_637 = arith.index_cast %add3A_594 : i32 to index
        %get3A_638 = arith.constant 48 : index
        %get3A_639 = tpu.vector_load %arg6[%get3A_637, %get3A_638] {strides = array<i32>} : memref<200x64xi32, #tpu.memory_space<vmem>>, vector<1x16xi32>,
        %get3A_640 = vector.shape_cast %get3A_639 : vector<1x16xi32> to vector<16xi32>
        %shift_left3A_641 = arith.constant 16 : i32
        %shift_left3A_642 = vector.broadcast %shift_left3A_641 : i32 to vector<16xi32>
        %shift_left3A_643 = arith.shli %get3A_640, %shift_left3A_642 : vector<16xi32>
        %bitcast_convert_type3A_644 = tpu.bitcast %shift_left3A_643 : vector<16xi32> -> vector<16xf32>
        %and3A_645 = arith.constant -65536 : i32
        %and3A_646 = vector.broadcast %and3A_645 : i32 to vector<16xi32>
        %and3A_647 = arith.andi %get3A_640, %and3A_646 : vector<16xi32>
        %bitcast_convert_type3A_648 = tpu.bitcast %and3A_647 : vector<16xi32> -> vector<16xf32>
        %add3A_649 = arith.addf %add3A_589, %bitcast_convert_type3A_644 : vector<16xf32>
        %add3A_650 = arith.addf %add3A_590, %bitcast_convert_type3A_648 : vector<16xf32>
        %mul3A_651 = arith.constant 8 : i32
        %mul3A_652 = arith.muli %scan3A_226, %mul3A_651 : i32
        %add3A_653 = arith.constant 7 : i32
        %add3A_654 = arith.addi %mul3A_652, %add3A_653 : i32
        %get3A_655 = arith.index_cast %add3A_654 : i32 to index
        %get3A_656 = arith.constant 0 : index
        %get3A_657 = tpu.vector_load %arg6[%get3A_655, %get3A_656] {strides = array<i32>} : memref<200x64xi32, #tpu.memory_space<vmem>>, vector<1x16xi32>,
        %get3A_658 = vector.shape_cast %get3A_657 : vector<1x16xi32> to vector<16xi32>
        %shift_left3A_659 = arith.constant 16 : i32
        %shift_left3A_660 = vector.broadcast %shift_left3A_659 : i32 to vector<16xi32>
        %shift_left3A_661 = arith.shli %get3A_658, %shift_left3A_660 : vector<16xi32>
        %bitcast_convert_type3A_662 = tpu.bitcast %shift_left3A_661 : vector<16xi32> -> vector<16xf32>
        %and3A_663 = arith.constant -65536 : i32
        %and3A_664 = vector.broadcast %and3A_663 : i32 to vector<16xi32>
        %and3A_665 = arith.andi %get3A_658, %and3A_664 : vector<16xi32>
        %bitcast_convert_type3A_666 = tpu.bitcast %and3A_665 : vector<16xi32> -> vector<16xf32>
        %add3A_667 = arith.addf %add3A_607, %bitcast_convert_type3A_662 : vector<16xf32>
        %add3A_668 = arith.addf %add3A_608, %bitcast_convert_type3A_666 : vector<16xf32>
        %get3A_669 = arith.index_cast %add3A_654 : i32 to index
        %get3A_670 = arith.constant 16 : index
        %get3A_671 = tpu.vector_load %arg6[%get3A_669, %get3A_670] {strides = array<i32>} : memref<200x64xi32, #tpu.memory_space<vmem>>, vector<1x16xi32>,
        %get3A_672 = vector.shape_cast %get3A_671 : vector<1x16xi32> to vector<16xi32>
        %shift_left3A_673 = arith.constant 16 : i32
        %shift_left3A_674 = vector.broadcast %shift_left3A_673 : i32 to vector<16xi32>
        %shift_left3A_675 = arith.shli %get3A_672, %shift_left3A_674 : vector<16xi32>
        %bitcast_convert_type3A_676 = tpu.bitcast %shift_left3A_675 : vector<16xi32> -> vector<16xf32>
        %and3A_677 = arith.constant -65536 : i32
        %and3A_678 = vector.broadcast %and3A_677 : i32 to vector<16xi32>
        %and3A_679 = arith.andi %get3A_672, %and3A_678 : vector<16xi32>
        %bitcast_convert_type3A_680 = tpu.bitcast %and3A_679 : vector<16xi32> -> vector<16xf32>
        %add3A_681 = arith.addf %add3A_621, %bitcast_convert_type3A_676 : vector<16xf32>
        %add3A_682 = arith.addf %add3A_622, %bitcast_convert_type3A_680 : vector<16xf32>
        %get3A_683 = arith.index_cast %add3A_654 : i32 to index
        %get3A_684 = arith.constant 32 : index
        %get3A_685 = tpu.vector_load %arg6[%get3A_683, %get3A_684] {strides = array<i32>} : memref<200x64xi32, #tpu.memory_space<vmem>>, vector<1x16xi32>,
        %get3A_686 = vector.shape_cast %get3A_685 : vector<1x16xi32> to vector<16xi32>
        %shift_left3A_687 = arith.constant 16 : i32
        %shift_left3A_688 = vector.broadcast %shift_left3A_687 : i32 to vector<16xi32>
        %shift_left3A_689 = arith.shli %get3A_686, %shift_left3A_688 : vector<16xi32>
        %bitcast_convert_type3A_690 = tpu.bitcast %shift_left3A_689 : vector<16xi32> -> vector<16xf32>
        %and3A_691 = arith.constant -65536 : i32
        %and3A_692 = vector.broadcast %and3A_691 : i32 to vector<16xi32>
        %and3A_693 = arith.andi %get3A_686, %and3A_692 : vector<16xi32>
        %bitcast_convert_type3A_694 = tpu.bitcast %and3A_693 : vector<16xi32> -> vector<16xf32>
        %add3A_695 = arith.addf %add3A_635, %bitcast_convert_type3A_690 : vector<16xf32>
        %add3A_696 = arith.addf %add3A_636, %bitcast_convert_type3A_694 : vector<16xf32>
        %get3A_697 = arith.index_cast %add3A_654 : i32 to index
        %get3A_698 = arith.constant 48 : index
        %get3A_699 = tpu.vector_load %arg6[%get3A_697, %get3A_698] {strides = array<i32>} : memref<200x64xi32, #tpu.memory_space<vmem>>, vector<1x16xi32>,
        %get3A_700 = vector.shape_cast %get3A_699 : vector<1x16xi32> to vector<16xi32>
        %shift_left3A_701 = arith.constant 16 : i32
        %shift_left3A_702 = vector.broadcast %shift_left3A_701 : i32 to vector<16xi32>
        %shift_left3A_703 = arith.shli %get3A_700, %shift_left3A_702 : vector<16xi32>
        %bitcast_convert_type3A_704 = tpu.bitcast %shift_left3A_703 : vector<16xi32> -> vector<16xf32>
        %and3A_705 = arith.constant -65536 : i32
        %and3A_706 = vector.broadcast %and3A_705 : i32 to vector<16xi32>
        %and3A_707 = arith.andi %get3A_700, %and3A_706 : vector<16xi32>
        %bitcast_convert_type3A_708 = tpu.bitcast %and3A_707 : vector<16xi32> -> vector<16xf32>
        %add3A_709 = arith.addf %add3A_649, %bitcast_convert_type3A_704 : vector<16xf32>
        %add3A_710 = arith.addf %add3A_650, %bitcast_convert_type3A_708 : vector<16xf32>
        scf.yield %add3A_667, %add3A_668, %add3A_681, %add3A_682, %add3A_695, %add3A_696, %add3A_709, %add3A_710 : vector<16xf32>, vector<16xf32>, vector<16xf32>, vector<16xf32>, vector<16xf32>, vector<16xf32>, vector<16xf32>, vector<16xf32>
      }
      %scan3A_81 = arith.constant 25 : i32
      %mul3A_82 = vector.broadcast %scan3A_27 : f32 to vector<16xf32>
      %mul3A_83 = arith.mulf %scan3A_80#0, %mul3A_82 : vector<16xf32>
      %swap3A = arith.index_cast %mul3A_35 : i32 to index
      %swap3A_84 = arith.constant 0 : index
      %swap3A_85 = tpu.vector_load %arg8[%swap3A, %swap3A_84] {strides = array<i32>} : memref<128x128xf32, #tpu.memory_space<vmem>>, vector<1x16xf32>,
      %swap3A_86 = vector.shape_cast %swap3A_85 : vector<1x16xf32> to vector<16xf32>
      %swap3A_87 = vector.shape_cast %mul3A_83 : vector<16xf32> to vector<1x16xf32>
      tpu.vector_store %arg8[%swap3A, %swap3A_84], %swap3A_87 {strides = array<i32>} : memref<128x128xf32, #tpu.memory_space<vmem>>, vector<1x16xf32>,
      %mul3A_88 = vector.broadcast %scan3A_27 : f32 to vector<16xf32>
      %mul3A_89 = arith.mulf %scan3A_80#1, %mul3A_88 : vector<16xf32>
      %swap3A_90 = arith.index_cast %mul3A_35 : i32 to index
      %swap3A_91 = arith.constant 64 : index
      %swap3A_92 = tpu.vector_load %arg8[%swap3A_90, %swap3A_91] {strides = array<i32>} : memref<128x128xf32, #tpu.memory_space<vmem>>, vector<1x16xf32>,
      %swap3A_93 = vector.shape_cast %swap3A_92 : vector<1x16xf32> to vector<16xf32>
      %swap3A_94 = vector.shape_cast %mul3A_89 : vector<16xf32> to vector<1x16xf32>
      tpu.vector_store %arg8[%swap3A_90, %swap3A_91], %swap3A_94 {strides = array<i32>} : memref<128x128xf32, #tpu.memory_space<vmem>>, vector<1x16xf32>,
      %mul3A_95 = vector.broadcast %scan3A_27 : f32 to vector<16xf32>
      %mul3A_96 = arith.mulf %scan3A_80#2, %mul3A_95 : vector<16xf32>
      %swap3A_97 = arith.index_cast %mul3A_35 : i32 to index
      %swap3A_98 = arith.constant 16 : index
      %swap3A_99 = tpu.vector_load %arg8[%swap3A_97, %swap3A_98] {strides = array<i32>} : memref<128x128xf32, #tpu.memory_space<vmem>>, vector<1x16xf32>,
      %swap3A_100 = vector.shape_cast %swap3A_99 : vector<1x16xf32> to vector<16xf32>
      %swap3A_101 = vector.shape_cast %mul3A_96 : vector<16xf32> to vector<1x16xf32>
      tpu.vector_store %arg8[%swap3A_97, %swap3A_98], %swap3A_101 {strides = array<i32>} : memref<128x128xf32, #tpu.memory_space<vmem>>, vector<1x16xf32>,
      %mul3A_102 = vector.broadcast %scan3A_27 : f32 to vector<16xf32>
      %mul3A_103 = arith.mulf %scan3A_80#3, %mul3A_102 : vector<16xf32>
      %swap3A_104 = arith.index_cast %mul3A_35 : i32 to index
      %swap3A_105 = arith.constant 80 : index
      %swap3A_106 = tpu.vector_load %arg8[%swap3A_104, %swap3A_105] {strides = array<i32>} : memref<128x128xf32, #tpu.memory_space<vmem>>, vector<1x16xf32>,
      %swap3A_107 = vector.shape_cast %swap3A_106 : vector<1x16xf32> to vector<16xf32>
      %swap3A_108 = vector.shape_cast %mul3A_103 : vector<16xf32> to vector<1x16xf32>
      tpu.vector_store %arg8[%swap3A_104, %swap3A_105], %swap3A_108 {strides = array<i32>} : memref<128x128xf32, #tpu.memory_space<vmem>>, vector<1x16xf32>,
      %mul3A_109 = vector.broadcast %scan3A_27 : f32 to vector<16xf32>
      %mul3A_110 = arith.mulf %scan3A_80#4, %mul3A_109 : vector<16xf32>
      %swap3A_111 = arith.index_cast %mul3A_35 : i32 to index
      %swap3A_112 = arith.constant 32 : index
      %swap3A_113 = tpu.vector_load %arg8[%swap3A_111, %swap3A_112] {strides = array<i32>} : memref<128x128xf32, #tpu.memory_space<vmem>>, vector<1x16xf32>,
      %swap3A_114 = vector.shape_cast %swap3A_113 : vector<1x16xf32> to vector<16xf32>
      %swap3A_115 = vector.shape_cast %mul3A_110 : vector<16xf32> to vector<1x16xf32>
      tpu.vector_store %arg8[%swap3A_111, %swap3A_112], %swap3A_115 {strides = array<i32>} : memref<128x128xf32, #tpu.memory_space<vmem>>, vector<1x16xf32>,
      %mul3A_116 = vector.broadcast %scan3A_27 : f32 to vector<16xf32>
      %mul3A_117 = arith.mulf %scan3A_80#5, %mul3A_116 : vector<16xf32>
      %swap3A_118 = arith.index_cast %mul3A_35 : i32 to index
      %swap3A_119 = arith.constant 96 : index
      %swap3A_120 = tpu.vector_load %arg8[%swap3A_118, %swap3A_119] {strides = array<i32>} : memref<128x128xf32, #tpu.memory_space<vmem>>, vector<1x16xf32>,
      %swap3A_121 = vector.shape_cast %swap3A_120 : vector<1x16xf32> to vector<16xf32>
      %swap3A_122 = vector.shape_cast %mul3A_117 : vector<16xf32> to vector<1x16xf32>
      tpu.vector_store %arg8[%swap3A_118, %swap3A_119], %swap3A_122 {strides = array<i32>} : memref<128x128xf32, #tpu.memory_space<vmem>>, vector<1x16xf32>,
      %mul3A_123 = vector.broadcast %scan3A_27 : f32 to vector<16xf32>
      %mul3A_124 = arith.mulf %scan3A_80#6, %mul3A_123 : vector<16xf32>
      %swap3A_125 = arith.index_cast %mul3A_35 : i32 to index
      %swap3A_126 = arith.constant 48 : index
      %swap3A_127 = tpu.vector_load %arg8[%swap3A_125, %swap3A_126] {strides = array<i32>} : memref<128x128xf32, #tpu.memory_space<vmem>>, vector<1x16xf32>,
      %swap3A_128 = vector.shape_cast %swap3A_127 : vector<1x16xf32> to vector<16xf32>
      %swap3A_129 = vector.shape_cast %mul3A_124 : vector<16xf32> to vector<1x16xf32>
      tpu.vector_store %arg8[%swap3A_125, %swap3A_126], %swap3A_129 {strides = array<i32>} : memref<128x128xf32, #tpu.memory_space<vmem>>, vector<1x16xf32>,
      %mul3A_130 = vector.broadcast %scan3A_27 : f32 to vector<16xf32>
      %mul3A_131 = arith.mulf %scan3A_80#7, %mul3A_130 : vector<16xf32>
      %swap3A_132 = arith.index_cast %mul3A_35 : i32 to index
      %swap3A_133 = arith.constant 112 : index
      %swap3A_134 = tpu.vector_load %arg8[%swap3A_132, %swap3A_133] {strides = array<i32>} : memref<128x128xf32, #tpu.memory_space<vmem>>, vector<1x16xf32>,
      %swap3A_135 = vector.shape_cast %swap3A_134 : vector<1x16xf32> to vector<16xf32>
      %swap3A_136 = vector.shape_cast %mul3A_131 : vector<16xf32> to vector<1x16xf32>
      tpu.vector_store %arg8[%swap3A_132, %swap3A_133], %swap3A_136 {strides = array<i32>} : memref<128x128xf32, #tpu.memory_space<vmem>>, vector<1x16xf32>,
      %lt3A = arith.constant 63 : i32
      %lt3A_137 = arith.cmpi slt, %scan3A_33, %lt3A : i32
      %convert_element_type3A = arith.extui %lt3A_137 : i1 to i32
      %cond3A = arith.constant 0 : i32
      %cond3A_138 = arith.cmpi ne, %convert_element_type3A, %cond3A : i32
      scf.if %cond3A_138 {
        %add3A_226 = arith.constant 2 : i32
        %add3A_227 = arith.addi %mul3A_35, %add3A_226 : i32
        %mul3A_228 = arith.constant 200 : i32
        %mul3A_229 = arith.muli %add3A_227, %mul3A_228 : i32
        %multiple_of3A_230 = tpu.assume_multiple %mul3A_229, 8 : i32
        %dma_start3A_231 = arith.constant 0 : i32
        %dma_start3A_232 = arith.constant 0 : i32
        %dma_start3A_233 = tpu.memref_slice %arg6[%dma_start3A_231, %dma_start3A_232] : memref<200x64xi32, #tpu.memory_space<vmem>> -> memref<128x64xi32, #tpu.memory_space<vmem>>
        %dma_start3A_234 = tpu.memref_slice %arg5[%multiple_of3A_230] : memref<25600xi32, #tpu.memory_space<vmem>> -> memref<128xi32, #tpu.memory_space<vmem>>
        %dma_start3A_235 = arith.constant 0 : i32
        %dma_start3A_236 = arith.constant 0 : i32
        %dma_start3A_237 = tpu.memref_slice %arg3[%dma_start3A_235, %dma_start3A_236] : memref<1015808x64xi32, #tpu.memory_space<hbm>> -> memref<1015808x64xi32, #tpu.memory_space<hbm>>
        tpu.enqueue_indirect_dma source(%dma_start3A_237 : memref<1015808x64xi32, #tpu.memory_space<hbm>>) target(%dma_start3A_233 : memref<128x64xi32, #tpu.memory_space<vmem>>) offsets(%dma_start3A_234 : memref<128xi32, #tpu.memory_space<vmem>>) semaphore(%arg9 : memref<!tpu.dma_semaphore, #tpu.memory_space<semaphore_mem>>)
        %add3A_238 = arith.constant 128 : i32
        %add3A_239 = arith.addi %multiple_of3A_230, %add3A_238 : i32
        %dma_start3A_240 = arith.constant 128 : i32
        %dma_start3A_241 = arith.constant 0 : i32
        %dma_start3A_242 = tpu.memref_slice %arg6[%dma_start3A_240, %dma_start3A_241] : memref<200x64xi32, #tpu.memory_space<vmem>> -> memref<72x64xi32, #tpu.memory_space<vmem>>
        %dma_start3A_243 = tpu.memref_slice %arg5[%add3A_239] : memref<25600xi32, #tpu.memory_space<vmem>> -> memref<72xi32, #tpu.memory_space<vmem>>
        %dma_start3A_244 = arith.constant 0 : i32
        %dma_start3A_245 = arith.constant 0 : i32
        %dma_start3A_246 = tpu.memref_slice %arg3[%dma_start3A_244, %dma_start3A_245] : memref<1015808x64xi32, #tpu.memory_space<hbm>> -> memref<1015808x64xi32, #tpu.memory_space<hbm>>
        tpu.enqueue_indirect_dma source(%dma_start3A_246 : memref<1015808x64xi32, #tpu.memory_space<hbm>>) target(%dma_start3A_242 : memref<72x64xi32, #tpu.memory_space<vmem>>) offsets(%dma_start3A_243 : memref<72xi32, #tpu.memory_space<vmem>>) semaphore(%arg9 : memref<!tpu.dma_semaphore, #tpu.memory_space<semaphore_mem>>)
      } else {
      }
      %add3A_139 = arith.constant 1 : i32
      %add3A_140 = arith.addi %mul3A_35, %add3A_139 : i32
      %mul3A_141 = arith.constant 200 : i32
      %mul3A_142 = arith.muli %add3A_140, %mul3A_141 : i32
      %multiple_of3A_143 = tpu.assume_multiple %mul3A_142, 8 : i32
      %dma_wait3A_144 = arith.constant 0 : i32
      %dma_wait3A_145 = arith.constant 0 : i32
      %dma_wait3A_146 = tpu.memref_slice %arg7[%dma_wait3A_144, %dma_wait3A_145] : memref<200x64xi32, #tpu.memory_space<vmem>> -> memref<128x64xi32, #tpu.memory_space<vmem>>
      %dma_wait3A_147 = tpu.memref_slice %arg5[%multiple_of3A_143] : memref<25600xi32, #tpu.memory_space<vmem>> -> memref<128xi32, #tpu.memory_space<vmem>>
      %dma_wait3A_148 = arith.constant 0 : i32
      %dma_wait3A_149 = arith.constant 0 : i32
      %dma_wait3A_150 = tpu.memref_slice %arg3[%dma_wait3A_148, %dma_wait3A_149] : memref<1015808x64xi32, #tpu.memory_space<hbm>> -> memref<1015808x64xi32, #tpu.memory_space<hbm>>
      tpu.wait_indirect_dma semaphore(%arg10 : memref<!tpu.dma_semaphore, #tpu.memory_space<semaphore_mem>>) src(%dma_wait3A_150 : memref<1015808x64xi32, #tpu.memory_space<hbm>>) dst(%dma_wait3A_146 : memref<128x64xi32, #tpu.memory_space<vmem>>)
      %add3A_151 = arith.constant 128 : i32
      %add3A_152 = arith.addi %multiple_of3A_143, %add3A_151 : i32
      %dma_wait3A_153 = arith.constant 128 : i32
      %dma_wait3A_154 = arith.constant 0 : i32
      %dma_wait3A_155 = tpu.memref_slice %arg7[%dma_wait3A_153, %dma_wait3A_154] : memref<200x64xi32, #tpu.memory_space<vmem>> -> memref<72x64xi32, #tpu.memory_space<vmem>>
      %dma_wait3A_156 = tpu.memref_slice %arg5[%add3A_152] : memref<25600xi32, #tpu.memory_space<vmem>> -> memref<72xi32, #tpu.memory_space<vmem>>
      %dma_wait3A_157 = arith.constant 0 : i32
      %dma_wait3A_158 = arith.constant 0 : i32
      %dma_wait3A_159 = tpu.memref_slice %arg3[%dma_wait3A_157, %dma_wait3A_158] : memref<1015808x64xi32, #tpu.memory_space<hbm>> -> memref<1015808x64xi32, #tpu.memory_space<hbm>>
      tpu.wait_indirect_dma semaphore(%arg10 : memref<!tpu.dma_semaphore, #tpu.memory_space<semaphore_mem>>) src(%dma_wait3A_159 : memref<1015808x64xi32, #tpu.memory_space<hbm>>) dst(%dma_wait3A_155 : memref<72x64xi32, #tpu.memory_space<vmem>>)
      %add3A_160 = arith.constant 1 : i32
      %add3A_161 = arith.addi %mul3A_35, %add3A_160 : i32
      %broadcast_in_dim3A_162 = arith.constant 0.000000e+00 : f32
      %broadcast_in_dim3A_163 = vector.broadcast %broadcast_in_dim3A_162 : f32 to vector<16xf32>
      %scan3A_164 = arith.constant 0 : i32
      %scan3A_165 = arith.constant 25 : i32
      %scan3A_166 = arith.addi %scan3A_164, %scan3A_165 : i32
      %scan3A_167 = arith.constant 1 : i32
      %scan3A_168:8 = scf.for %scan3A_226 = %scan3A_164 to %scan3A_166 step %scan3A_167 iter_args(%scan3A_227 = %broadcast_in_dim3A_163, %scan3A_228 = %broadcast_in_dim3A_163, %scan3A_229 = %broadcast_in_dim3A_163, %scan3A_230 = %broadcast_in_dim3A_163, %scan3A_231 = %broadcast_in_dim3A_163, %scan3A_232 = %broadcast_in_dim3A_163, %scan3A_233 = %broadcast_in_dim3A_163, %scan3A_234 = %broadcast_in_dim3A_163) -> (vector<16xf32>, vector<16xf32>, vector<16xf32>, vector<16xf32>, vector<16xf32>, vector<16xf32>, vector<16xf32>, vector<16xf32>)  : i32 {
        %mul3A_235 = arith.constant 8 : i32
        %mul3A_236 = arith.muli %scan3A_226, %mul3A_235 : i32
        %add3A_237 = arith.constant 0 : i32
        %add3A_238 = arith.addi %mul3A_236, %add3A_237 : i32
        %get3A = arith.index_cast %add3A_238 : i32 to index
        %get3A_239 = arith.constant 0 : index
        %get3A_240 = tpu.vector_load %arg7[%get3A, %get3A_239] {strides = array<i32>} : memref<200x64xi32, #tpu.memory_space<vmem>>, vector<1x16xi32>,
        %get3A_241 = vector.shape_cast %get3A_240 : vector<1x16xi32> to vector<16xi32>
        %shift_left3A = arith.constant 16 : i32
        %shift_left3A_242 = vector.broadcast %shift_left3A : i32 to vector<16xi32>
        %shift_left3A_243 = arith.shli %get3A_241, %shift_left3A_242 : vector<16xi32>
        %bitcast_convert_type3A = tpu.bitcast %shift_left3A_243 : vector<16xi32> -> vector<16xf32>
        %and3A = arith.constant -65536 : i32
        %and3A_244 = vector.broadcast %and3A : i32 to vector<16xi32>
        %and3A_245 = arith.andi %get3A_241, %and3A_244 : vector<16xi32>
        %bitcast_convert_type3A_246 = tpu.bitcast %and3A_245 : vector<16xi32> -> vector<16xf32>
        %add3A_247 = arith.addf %scan3A_227, %bitcast_convert_type3A : vector<16xf32>
        %add3A_248 = arith.addf %scan3A_228, %bitcast_convert_type3A_246 : vector<16xf32>
        %get3A_249 = arith.index_cast %add3A_238 : i32 to index
        %get3A_250 = arith.constant 16 : index
        %get3A_251 = tpu.vector_load %arg7[%get3A_249, %get3A_250] {strides = array<i32>} : memref<200x64xi32, #tpu.memory_space<vmem>>, vector<1x16xi32>,
        %get3A_252 = vector.shape_cast %get3A_251 : vector<1x16xi32> to vector<16xi32>
        %shift_left3A_253 = arith.constant 16 : i32
        %shift_left3A_254 = vector.broadcast %shift_left3A_253 : i32 to vector<16xi32>
        %shift_left3A_255 = arith.shli %get3A_252, %shift_left3A_254 : vector<16xi32>
        %bitcast_convert_type3A_256 = tpu.bitcast %shift_left3A_255 : vector<16xi32> -> vector<16xf32>
        %and3A_257 = arith.constant -65536 : i32
        %and3A_258 = vector.broadcast %and3A_257 : i32 to vector<16xi32>
        %and3A_259 = arith.andi %get3A_252, %and3A_258 : vector<16xi32>
        %bitcast_convert_type3A_260 = tpu.bitcast %and3A_259 : vector<16xi32> -> vector<16xf32>
        %add3A_261 = arith.addf %scan3A_229, %bitcast_convert_type3A_256 : vector<16xf32>
        %add3A_262 = arith.addf %scan3A_230, %bitcast_convert_type3A_260 : vector<16xf32>
        %get3A_263 = arith.index_cast %add3A_238 : i32 to index
        %get3A_264 = arith.constant 32 : index
        %get3A_265 = tpu.vector_load %arg7[%get3A_263, %get3A_264] {strides = array<i32>} : memref<200x64xi32, #tpu.memory_space<vmem>>, vector<1x16xi32>,
        %get3A_266 = vector.shape_cast %get3A_265 : vector<1x16xi32> to vector<16xi32>
        %shift_left3A_267 = arith.constant 16 : i32
        %shift_left3A_268 = vector.broadcast %shift_left3A_267 : i32 to vector<16xi32>
        %shift_left3A_269 = arith.shli %get3A_266, %shift_left3A_268 : vector<16xi32>
        %bitcast_convert_type3A_270 = tpu.bitcast %shift_left3A_269 : vector<16xi32> -> vector<16xf32>
        %and3A_271 = arith.constant -65536 : i32
        %and3A_272 = vector.broadcast %and3A_271 : i32 to vector<16xi32>
        %and3A_273 = arith.andi %get3A_266, %and3A_272 : vector<16xi32>
        %bitcast_convert_type3A_274 = tpu.bitcast %and3A_273 : vector<16xi32> -> vector<16xf32>
        %add3A_275 = arith.addf %scan3A_231, %bitcast_convert_type3A_270 : vector<16xf32>
        %add3A_276 = arith.addf %scan3A_232, %bitcast_convert_type3A_274 : vector<16xf32>
        %get3A_277 = arith.index_cast %add3A_238 : i32 to index
        %get3A_278 = arith.constant 48 : index
        %get3A_279 = tpu.vector_load %arg7[%get3A_277, %get3A_278] {strides = array<i32>} : memref<200x64xi32, #tpu.memory_space<vmem>>, vector<1x16xi32>,
        %get3A_280 = vector.shape_cast %get3A_279 : vector<1x16xi32> to vector<16xi32>
        %shift_left3A_281 = arith.constant 16 : i32
        %shift_left3A_282 = vector.broadcast %shift_left3A_281 : i32 to vector<16xi32>
        %shift_left3A_283 = arith.shli %get3A_280, %shift_left3A_282 : vector<16xi32>
        %bitcast_convert_type3A_284 = tpu.bitcast %shift_left3A_283 : vector<16xi32> -> vector<16xf32>
        %and3A_285 = arith.constant -65536 : i32
        %and3A_286 = vector.broadcast %and3A_285 : i32 to vector<16xi32>
        %and3A_287 = arith.andi %get3A_280, %and3A_286 : vector<16xi32>
        %bitcast_convert_type3A_288 = tpu.bitcast %and3A_287 : vector<16xi32> -> vector<16xf32>
        %add3A_289 = arith.addf %scan3A_233, %bitcast_convert_type3A_284 : vector<16xf32>
        %add3A_290 = arith.addf %scan3A_234, %bitcast_convert_type3A_288 : vector<16xf32>
        %mul3A_291 = arith.constant 8 : i32
        %mul3A_292 = arith.muli %scan3A_226, %mul3A_291 : i32
        %add3A_293 = arith.constant 1 : i32
        %add3A_294 = arith.addi %mul3A_292, %add3A_293 : i32
        %get3A_295 = arith.index_cast %add3A_294 : i32 to index
        %get3A_296 = arith.constant 0 : index
        %get3A_297 = tpu.vector_load %arg7[%get3A_295, %get3A_296] {strides = array<i32>} : memref<200x64xi32, #tpu.memory_space<vmem>>, vector<1x16xi32>,
        %get3A_298 = vector.shape_cast %get3A_297 : vector<1x16xi32> to vector<16xi32>
        %shift_left3A_299 = arith.constant 16 : i32
        %shift_left3A_300 = vector.broadcast %shift_left3A_299 : i32 to vector<16xi32>
        %shift_left3A_301 = arith.shli %get3A_298, %shift_left3A_300 : vector<16xi32>
        %bitcast_convert_type3A_302 = tpu.bitcast %shift_left3A_301 : vector<16xi32> -> vector<16xf32>
        %and3A_303 = arith.constant -65536 : i32
        %and3A_304 = vector.broadcast %and3A_303 : i32 to vector<16xi32>
        %and3A_305 = arith.andi %get3A_298, %and3A_304 : vector<16xi32>
        %bitcast_convert_type3A_306 = tpu.bitcast %and3A_305 : vector<16xi32> -> vector<16xf32>
        %add3A_307 = arith.addf %add3A_247, %bitcast_convert_type3A_302 : vector<16xf32>
        %add3A_308 = arith.addf %add3A_248, %bitcast_convert_type3A_306 : vector<16xf32>
        %get3A_309 = arith.index_cast %add3A_294 : i32 to index
        %get3A_310 = arith.constant 16 : index
        %get3A_311 = tpu.vector_load %arg7[%get3A_309, %get3A_310] {strides = array<i32>} : memref<200x64xi32, #tpu.memory_space<vmem>>, vector<1x16xi32>,
        %get3A_312 = vector.shape_cast %get3A_311 : vector<1x16xi32> to vector<16xi32>
        %shift_left3A_313 = arith.constant 16 : i32
        %shift_left3A_314 = vector.broadcast %shift_left3A_313 : i32 to vector<16xi32>
        %shift_left3A_315 = arith.shli %get3A_312, %shift_left3A_314 : vector<16xi32>
        %bitcast_convert_type3A_316 = tpu.bitcast %shift_left3A_315 : vector<16xi32> -> vector<16xf32>
        %and3A_317 = arith.constant -65536 : i32
        %and3A_318 = vector.broadcast %and3A_317 : i32 to vector<16xi32>
        %and3A_319 = arith.andi %get3A_312, %and3A_318 : vector<16xi32>
        %bitcast_convert_type3A_320 = tpu.bitcast %and3A_319 : vector<16xi32> -> vector<16xf32>
        %add3A_321 = arith.addf %add3A_261, %bitcast_convert_type3A_316 : vector<16xf32>
        %add3A_322 = arith.addf %add3A_262, %bitcast_convert_type3A_320 : vector<16xf32>
        %get3A_323 = arith.index_cast %add3A_294 : i32 to index
        %get3A_324 = arith.constant 32 : index
        %get3A_325 = tpu.vector_load %arg7[%get3A_323, %get3A_324] {strides = array<i32>} : memref<200x64xi32, #tpu.memory_space<vmem>>, vector<1x16xi32>,
        %get3A_326 = vector.shape_cast %get3A_325 : vector<1x16xi32> to vector<16xi32>
        %shift_left3A_327 = arith.constant 16 : i32
        %shift_left3A_328 = vector.broadcast %shift_left3A_327 : i32 to vector<16xi32>
        %shift_left3A_329 = arith.shli %get3A_326, %shift_left3A_328 : vector<16xi32>
        %bitcast_convert_type3A_330 = tpu.bitcast %shift_left3A_329 : vector<16xi32> -> vector<16xf32>
        %and3A_331 = arith.constant -65536 : i32
        %and3A_332 = vector.broadcast %and3A_331 : i32 to vector<16xi32>
        %and3A_333 = arith.andi %get3A_326, %and3A_332 : vector<16xi32>
        %bitcast_convert_type3A_334 = tpu.bitcast %and3A_333 : vector<16xi32> -> vector<16xf32>
        %add3A_335 = arith.addf %add3A_275, %bitcast_convert_type3A_330 : vector<16xf32>
        %add3A_336 = arith.addf %add3A_276, %bitcast_convert_type3A_334 : vector<16xf32>
        %get3A_337 = arith.index_cast %add3A_294 : i32 to index
        %get3A_338 = arith.constant 48 : index
        %get3A_339 = tpu.vector_load %arg7[%get3A_337, %get3A_338] {strides = array<i32>} : memref<200x64xi32, #tpu.memory_space<vmem>>, vector<1x16xi32>,
        %get3A_340 = vector.shape_cast %get3A_339 : vector<1x16xi32> to vector<16xi32>
        %shift_left3A_341 = arith.constant 16 : i32
        %shift_left3A_342 = vector.broadcast %shift_left3A_341 : i32 to vector<16xi32>
        %shift_left3A_343 = arith.shli %get3A_340, %shift_left3A_342 : vector<16xi32>
        %bitcast_convert_type3A_344 = tpu.bitcast %shift_left3A_343 : vector<16xi32> -> vector<16xf32>
        %and3A_345 = arith.constant -65536 : i32
        %and3A_346 = vector.broadcast %and3A_345 : i32 to vector<16xi32>
        %and3A_347 = arith.andi %get3A_340, %and3A_346 : vector<16xi32>
        %bitcast_convert_type3A_348 = tpu.bitcast %and3A_347 : vector<16xi32> -> vector<16xf32>
        %add3A_349 = arith.addf %add3A_289, %bitcast_convert_type3A_344 : vector<16xf32>
        %add3A_350 = arith.addf %add3A_290, %bitcast_convert_type3A_348 : vector<16xf32>
        %mul3A_351 = arith.constant 8 : i32
        %mul3A_352 = arith.muli %scan3A_226, %mul3A_351 : i32
        %add3A_353 = arith.constant 2 : i32
        %add3A_354 = arith.addi %mul3A_352, %add3A_353 : i32
        %get3A_355 = arith.index_cast %add3A_354 : i32 to index
        %get3A_356 = arith.constant 0 : index
        %get3A_357 = tpu.vector_load %arg7[%get3A_355, %get3A_356] {strides = array<i32>} : memref<200x64xi32, #tpu.memory_space<vmem>>, vector<1x16xi32>,
        %get3A_358 = vector.shape_cast %get3A_357 : vector<1x16xi32> to vector<16xi32>
        %shift_left3A_359 = arith.constant 16 : i32
        %shift_left3A_360 = vector.broadcast %shift_left3A_359 : i32 to vector<16xi32>
        %shift_left3A_361 = arith.shli %get3A_358, %shift_left3A_360 : vector<16xi32>
        %bitcast_convert_type3A_362 = tpu.bitcast %shift_left3A_361 : vector<16xi32> -> vector<16xf32>
        %and3A_363 = arith.constant -65536 : i32
        %and3A_364 = vector.broadcast %and3A_363 : i32 to vector<16xi32>
        %and3A_365 = arith.andi %get3A_358, %and3A_364 : vector<16xi32>
        %bitcast_convert_type3A_366 = tpu.bitcast %and3A_365 : vector<16xi32> -> vector<16xf32>
        %add3A_367 = arith.addf %add3A_307, %bitcast_convert_type3A_362 : vector<16xf32>
        %add3A_368 = arith.addf %add3A_308, %bitcast_convert_type3A_366 : vector<16xf32>
        %get3A_369 = arith.index_cast %add3A_354 : i32 to index
        %get3A_370 = arith.constant 16 : index
        %get3A_371 = tpu.vector_load %arg7[%get3A_369, %get3A_370] {strides = array<i32>} : memref<200x64xi32, #tpu.memory_space<vmem>>, vector<1x16xi32>,
        %get3A_372 = vector.shape_cast %get3A_371 : vector<1x16xi32> to vector<16xi32>
        %shift_left3A_373 = arith.constant 16 : i32
        %shift_left3A_374 = vector.broadcast %shift_left3A_373 : i32 to vector<16xi32>
        %shift_left3A_375 = arith.shli %get3A_372, %shift_left3A_374 : vector<16xi32>
        %bitcast_convert_type3A_376 = tpu.bitcast %shift_left3A_375 : vector<16xi32> -> vector<16xf32>
        %and3A_377 = arith.constant -65536 : i32
        %and3A_378 = vector.broadcast %and3A_377 : i32 to vector<16xi32>
        %and3A_379 = arith.andi %get3A_372, %and3A_378 : vector<16xi32>
        %bitcast_convert_type3A_380 = tpu.bitcast %and3A_379 : vector<16xi32> -> vector<16xf32>
        %add3A_381 = arith.addf %add3A_321, %bitcast_convert_type3A_376 : vector<16xf32>
        %add3A_382 = arith.addf %add3A_322, %bitcast_convert_type3A_380 : vector<16xf32>
        %get3A_383 = arith.index_cast %add3A_354 : i32 to index
        %get3A_384 = arith.constant 32 : index
        %get3A_385 = tpu.vector_load %arg7[%get3A_383, %get3A_384] {strides = array<i32>} : memref<200x64xi32, #tpu.memory_space<vmem>>, vector<1x16xi32>,
        %get3A_386 = vector.shape_cast %get3A_385 : vector<1x16xi32> to vector<16xi32>
        %shift_left3A_387 = arith.constant 16 : i32
        %shift_left3A_388 = vector.broadcast %shift_left3A_387 : i32 to vector<16xi32>
        %shift_left3A_389 = arith.shli %get3A_386, %shift_left3A_388 : vector<16xi32>
        %bitcast_convert_type3A_390 = tpu.bitcast %shift_left3A_389 : vector<16xi32> -> vector<16xf32>
        %and3A_391 = arith.constant -65536 : i32
        %and3A_392 = vector.broadcast %and3A_391 : i32 to vector<16xi32>
        %and3A_393 = arith.andi %get3A_386, %and3A_392 : vector<16xi32>
        %bitcast_convert_type3A_394 = tpu.bitcast %and3A_393 : vector<16xi32> -> vector<16xf32>
        %add3A_395 = arith.addf %add3A_335, %bitcast_convert_type3A_390 : vector<16xf32>
        %add3A_396 = arith.addf %add3A_336, %bitcast_convert_type3A_394 : vector<16xf32>
        %get3A_397 = arith.index_cast %add3A_354 : i32 to index
        %get3A_398 = arith.constant 48 : index
        %get3A_399 = tpu.vector_load %arg7[%get3A_397, %get3A_398] {strides = array<i32>} : memref<200x64xi32, #tpu.memory_space<vmem>>, vector<1x16xi32>,
        %get3A_400 = vector.shape_cast %get3A_399 : vector<1x16xi32> to vector<16xi32>
        %shift_left3A_401 = arith.constant 16 : i32
        %shift_left3A_402 = vector.broadcast %shift_left3A_401 : i32 to vector<16xi32>
        %shift_left3A_403 = arith.shli %get3A_400, %shift_left3A_402 : vector<16xi32>
        %bitcast_convert_type3A_404 = tpu.bitcast %shift_left3A_403 : vector<16xi32> -> vector<16xf32>
        %and3A_405 = arith.constant -65536 : i32
        %and3A_406 = vector.broadcast %and3A_405 : i32 to vector<16xi32>
        %and3A_407 = arith.andi %get3A_400, %and3A_406 : vector<16xi32>
        %bitcast_convert_type3A_408 = tpu.bitcast %and3A_407 : vector<16xi32> -> vector<16xf32>
        %add3A_409 = arith.addf %add3A_349, %bitcast_convert_type3A_404 : vector<16xf32>
        %add3A_410 = arith.addf %add3A_350, %bitcast_convert_type3A_408 : vector<16xf32>
        %mul3A_411 = arith.constant 8 : i32
        %mul3A_412 = arith.muli %scan3A_226, %mul3A_411 : i32
        %add3A_413 = arith.constant 3 : i32
        %add3A_414 = arith.addi %mul3A_412, %add3A_413 : i32
        %get3A_415 = arith.index_cast %add3A_414 : i32 to index
        %get3A_416 = arith.constant 0 : index
        %get3A_417 = tpu.vector_load %arg7[%get3A_415, %get3A_416] {strides = array<i32>} : memref<200x64xi32, #tpu.memory_space<vmem>>, vector<1x16xi32>,
        %get3A_418 = vector.shape_cast %get3A_417 : vector<1x16xi32> to vector<16xi32>
        %shift_left3A_419 = arith.constant 16 : i32
        %shift_left3A_420 = vector.broadcast %shift_left3A_419 : i32 to vector<16xi32>
        %shift_left3A_421 = arith.shli %get3A_418, %shift_left3A_420 : vector<16xi32>
        %bitcast_convert_type3A_422 = tpu.bitcast %shift_left3A_421 : vector<16xi32> -> vector<16xf32>
        %and3A_423 = arith.constant -65536 : i32
        %and3A_424 = vector.broadcast %and3A_423 : i32 to vector<16xi32>
        %and3A_425 = arith.andi %get3A_418, %and3A_424 : vector<16xi32>
        %bitcast_convert_type3A_426 = tpu.bitcast %and3A_425 : vector<16xi32> -> vector<16xf32>
        %add3A_427 = arith.addf %add3A_367, %bitcast_convert_type3A_422 : vector<16xf32>
        %add3A_428 = arith.addf %add3A_368, %bitcast_convert_type3A_426 : vector<16xf32>
        %get3A_429 = arith.index_cast %add3A_414 : i32 to index
        %get3A_430 = arith.constant 16 : index
        %get3A_431 = tpu.vector_load %arg7[%get3A_429, %get3A_430] {strides = array<i32>} : memref<200x64xi32, #tpu.memory_space<vmem>>, vector<1x16xi32>,
        %get3A_432 = vector.shape_cast %get3A_431 : vector<1x16xi32> to vector<16xi32>
        %shift_left3A_433 = arith.constant 16 : i32
        %shift_left3A_434 = vector.broadcast %shift_left3A_433 : i32 to vector<16xi32>
        %shift_left3A_435 = arith.shli %get3A_432, %shift_left3A_434 : vector<16xi32>
        %bitcast_convert_type3A_436 = tpu.bitcast %shift_left3A_435 : vector<16xi32> -> vector<16xf32>
        %and3A_437 = arith.constant -65536 : i32
        %and3A_438 = vector.broadcast %and3A_437 : i32 to vector<16xi32>
        %and3A_439 = arith.andi %get3A_432, %and3A_438 : vector<16xi32>
        %bitcast_convert_type3A_440 = tpu.bitcast %and3A_439 : vector<16xi32> -> vector<16xf32>
        %add3A_441 = arith.addf %add3A_381, %bitcast_convert_type3A_436 : vector<16xf32>
        %add3A_442 = arith.addf %add3A_382, %bitcast_convert_type3A_440 : vector<16xf32>
        %get3A_443 = arith.index_cast %add3A_414 : i32 to index
        %get3A_444 = arith.constant 32 : index
        %get3A_445 = tpu.vector_load %arg7[%get3A_443, %get3A_444] {strides = array<i32>} : memref<200x64xi32, #tpu.memory_space<vmem>>, vector<1x16xi32>,
        %get3A_446 = vector.shape_cast %get3A_445 : vector<1x16xi32> to vector<16xi32>
        %shift_left3A_447 = arith.constant 16 : i32
        %shift_left3A_448 = vector.broadcast %shift_left3A_447 : i32 to vector<16xi32>
        %shift_left3A_449 = arith.shli %get3A_446, %shift_left3A_448 : vector<16xi32>
        %bitcast_convert_type3A_450 = tpu.bitcast %shift_left3A_449 : vector<16xi32> -> vector<16xf32>
        %and3A_451 = arith.constant -65536 : i32
        %and3A_452 = vector.broadcast %and3A_451 : i32 to vector<16xi32>
        %and3A_453 = arith.andi %get3A_446, %and3A_452 : vector<16xi32>
        %bitcast_convert_type3A_454 = tpu.bitcast %and3A_453 : vector<16xi32> -> vector<16xf32>
        %add3A_455 = arith.addf %add3A_395, %bitcast_convert_type3A_450 : vector<16xf32>
        %add3A_456 = arith.addf %add3A_396, %bitcast_convert_type3A_454 : vector<16xf32>
        %get3A_457 = arith.index_cast %add3A_414 : i32 to index
        %get3A_458 = arith.constant 48 : index
        %get3A_459 = tpu.vector_load %arg7[%get3A_457, %get3A_458] {strides = array<i32>} : memref<200x64xi32, #tpu.memory_space<vmem>>, vector<1x16xi32>,
        %get3A_460 = vector.shape_cast %get3A_459 : vector<1x16xi32> to vector<16xi32>
        %shift_left3A_461 = arith.constant 16 : i32
        %shift_left3A_462 = vector.broadcast %shift_left3A_461 : i32 to vector<16xi32>
        %shift_left3A_463 = arith.shli %get3A_460, %shift_left3A_462 : vector<16xi32>
        %bitcast_convert_type3A_464 = tpu.bitcast %shift_left3A_463 : vector<16xi32> -> vector<16xf32>
        %and3A_465 = arith.constant -65536 : i32
        %and3A_466 = vector.broadcast %and3A_465 : i32 to vector<16xi32>
        %and3A_467 = arith.andi %get3A_460, %and3A_466 : vector<16xi32>
        %bitcast_convert_type3A_468 = tpu.bitcast %and3A_467 : vector<16xi32> -> vector<16xf32>
        %add3A_469 = arith.addf %add3A_409, %bitcast_convert_type3A_464 : vector<16xf32>
        %add3A_470 = arith.addf %add3A_410, %bitcast_convert_type3A_468 : vector<16xf32>
        %mul3A_471 = arith.constant 8 : i32
        %mul3A_472 = arith.muli %scan3A_226, %mul3A_471 : i32
        %add3A_473 = arith.constant 4 : i32
        %add3A_474 = arith.addi %mul3A_472, %add3A_473 : i32
        %get3A_475 = arith.index_cast %add3A_474 : i32 to index
        %get3A_476 = arith.constant 0 : index
        %get3A_477 = tpu.vector_load %arg7[%get3A_475, %get3A_476] {strides = array<i32>} : memref<200x64xi32, #tpu.memory_space<vmem>>, vector<1x16xi32>,
        %get3A_478 = vector.shape_cast %get3A_477 : vector<1x16xi32> to vector<16xi32>
        %shift_left3A_479 = arith.constant 16 : i32
        %shift_left3A_480 = vector.broadcast %shift_left3A_479 : i32 to vector<16xi32>
        %shift_left3A_481 = arith.shli %get3A_478, %shift_left3A_480 : vector<16xi32>
        %bitcast_convert_type3A_482 = tpu.bitcast %shift_left3A_481 : vector<16xi32> -> vector<16xf32>
        %and3A_483 = arith.constant -65536 : i32
        %and3A_484 = vector.broadcast %and3A_483 : i32 to vector<16xi32>
        %and3A_485 = arith.andi %get3A_478, %and3A_484 : vector<16xi32>
        %bitcast_convert_type3A_486 = tpu.bitcast %and3A_485 : vector<16xi32> -> vector<16xf32>
        %add3A_487 = arith.addf %add3A_427, %bitcast_convert_type3A_482 : vector<16xf32>
        %add3A_488 = arith.addf %add3A_428, %bitcast_convert_type3A_486 : vector<16xf32>
        %get3A_489 = arith.index_cast %add3A_474 : i32 to index
        %get3A_490 = arith.constant 16 : index
        %get3A_491 = tpu.vector_load %arg7[%get3A_489, %get3A_490] {strides = array<i32>} : memref<200x64xi32, #tpu.memory_space<vmem>>, vector<1x16xi32>,
        %get3A_492 = vector.shape_cast %get3A_491 : vector<1x16xi32> to vector<16xi32>
        %shift_left3A_493 = arith.constant 16 : i32
        %shift_left3A_494 = vector.broadcast %shift_left3A_493 : i32 to vector<16xi32>
        %shift_left3A_495 = arith.shli %get3A_492, %shift_left3A_494 : vector<16xi32>
        %bitcast_convert_type3A_496 = tpu.bitcast %shift_left3A_495 : vector<16xi32> -> vector<16xf32>
        %and3A_497 = arith.constant -65536 : i32
        %and3A_498 = vector.broadcast %and3A_497 : i32 to vector<16xi32>
        %and3A_499 = arith.andi %get3A_492, %and3A_498 : vector<16xi32>
        %bitcast_convert_type3A_500 = tpu.bitcast %and3A_499 : vector<16xi32> -> vector<16xf32>
        %add3A_501 = arith.addf %add3A_441, %bitcast_convert_type3A_496 : vector<16xf32>
        %add3A_502 = arith.addf %add3A_442, %bitcast_convert_type3A_500 : vector<16xf32>
        %get3A_503 = arith.index_cast %add3A_474 : i32 to index
        %get3A_504 = arith.constant 32 : index
        %get3A_505 = tpu.vector_load %arg7[%get3A_503, %get3A_504] {strides = array<i32>} : memref<200x64xi32, #tpu.memory_space<vmem>>, vector<1x16xi32>,
        %get3A_506 = vector.shape_cast %get3A_505 : vector<1x16xi32> to vector<16xi32>
        %shift_left3A_507 = arith.constant 16 : i32
        %shift_left3A_508 = vector.broadcast %shift_left3A_507 : i32 to vector<16xi32>
        %shift_left3A_509 = arith.shli %get3A_506, %shift_left3A_508 : vector<16xi32>
        %bitcast_convert_type3A_510 = tpu.bitcast %shift_left3A_509 : vector<16xi32> -> vector<16xf32>
        %and3A_511 = arith.constant -65536 : i32
        %and3A_512 = vector.broadcast %and3A_511 : i32 to vector<16xi32>
        %and3A_513 = arith.andi %get3A_506, %and3A_512 : vector<16xi32>
        %bitcast_convert_type3A_514 = tpu.bitcast %and3A_513 : vector<16xi32> -> vector<16xf32>
        %add3A_515 = arith.addf %add3A_455, %bitcast_convert_type3A_510 : vector<16xf32>
        %add3A_516 = arith.addf %add3A_456, %bitcast_convert_type3A_514 : vector<16xf32>
        %get3A_517 = arith.index_cast %add3A_474 : i32 to index
        %get3A_518 = arith.constant 48 : index
        %get3A_519 = tpu.vector_load %arg7[%get3A_517, %get3A_518] {strides = array<i32>} : memref<200x64xi32, #tpu.memory_space<vmem>>, vector<1x16xi32>,
        %get3A_520 = vector.shape_cast %get3A_519 : vector<1x16xi32> to vector<16xi32>
        %shift_left3A_521 = arith.constant 16 : i32
        %shift_left3A_522 = vector.broadcast %shift_left3A_521 : i32 to vector<16xi32>
        %shift_left3A_523 = arith.shli %get3A_520, %shift_left3A_522 : vector<16xi32>
        %bitcast_convert_type3A_524 = tpu.bitcast %shift_left3A_523 : vector<16xi32> -> vector<16xf32>
        %and3A_525 = arith.constant -65536 : i32
        %and3A_526 = vector.broadcast %and3A_525 : i32 to vector<16xi32>
        %and3A_527 = arith.andi %get3A_520, %and3A_526 : vector<16xi32>
        %bitcast_convert_type3A_528 = tpu.bitcast %and3A_527 : vector<16xi32> -> vector<16xf32>
        %add3A_529 = arith.addf %add3A_469, %bitcast_convert_type3A_524 : vector<16xf32>
        %add3A_530 = arith.addf %add3A_470, %bitcast_convert_type3A_528 : vector<16xf32>
        %mul3A_531 = arith.constant 8 : i32
        %mul3A_532 = arith.muli %scan3A_226, %mul3A_531 : i32
        %add3A_533 = arith.constant 5 : i32
        %add3A_534 = arith.addi %mul3A_532, %add3A_533 : i32
        %get3A_535 = arith.index_cast %add3A_534 : i32 to index
        %get3A_536 = arith.constant 0 : index
        %get3A_537 = tpu.vector_load %arg7[%get3A_535, %get3A_536] {strides = array<i32>} : memref<200x64xi32, #tpu.memory_space<vmem>>, vector<1x16xi32>,
        %get3A_538 = vector.shape_cast %get3A_537 : vector<1x16xi32> to vector<16xi32>
        %shift_left3A_539 = arith.constant 16 : i32
        %shift_left3A_540 = vector.broadcast %shift_left3A_539 : i32 to vector<16xi32>
        %shift_left3A_541 = arith.shli %get3A_538, %shift_left3A_540 : vector<16xi32>
        %bitcast_convert_type3A_542 = tpu.bitcast %shift_left3A_541 : vector<16xi32> -> vector<16xf32>
        %and3A_543 = arith.constant -65536 : i32
        %and3A_544 = vector.broadcast %and3A_543 : i32 to vector<16xi32>
        %and3A_545 = arith.andi %get3A_538, %and3A_544 : vector<16xi32>
        %bitcast_convert_type3A_546 = tpu.bitcast %and3A_545 : vector<16xi32> -> vector<16xf32>
        %add3A_547 = arith.addf %add3A_487, %bitcast_convert_type3A_542 : vector<16xf32>
        %add3A_548 = arith.addf %add3A_488, %bitcast_convert_type3A_546 : vector<16xf32>
        %get3A_549 = arith.index_cast %add3A_534 : i32 to index
        %get3A_550 = arith.constant 16 : index
        %get3A_551 = tpu.vector_load %arg7[%get3A_549, %get3A_550] {strides = array<i32>} : memref<200x64xi32, #tpu.memory_space<vmem>>, vector<1x16xi32>,
        %get3A_552 = vector.shape_cast %get3A_551 : vector<1x16xi32> to vector<16xi32>
        %shift_left3A_553 = arith.constant 16 : i32
        %shift_left3A_554 = vector.broadcast %shift_left3A_553 : i32 to vector<16xi32>
        %shift_left3A_555 = arith.shli %get3A_552, %shift_left3A_554 : vector<16xi32>
        %bitcast_convert_type3A_556 = tpu.bitcast %shift_left3A_555 : vector<16xi32> -> vector<16xf32>
        %and3A_557 = arith.constant -65536 : i32
        %and3A_558 = vector.broadcast %and3A_557 : i32 to vector<16xi32>
        %and3A_559 = arith.andi %get3A_552, %and3A_558 : vector<16xi32>
        %bitcast_convert_type3A_560 = tpu.bitcast %and3A_559 : vector<16xi32> -> vector<16xf32>
        %add3A_561 = arith.addf %add3A_501, %bitcast_convert_type3A_556 : vector<16xf32>
        %add3A_562 = arith.addf %add3A_502, %bitcast_convert_type3A_560 : vector<16xf32>
        %get3A_563 = arith.index_cast %add3A_534 : i32 to index
        %get3A_564 = arith.constant 32 : index
        %get3A_565 = tpu.vector_load %arg7[%get3A_563, %get3A_564] {strides = array<i32>} : memref<200x64xi32, #tpu.memory_space<vmem>>, vector<1x16xi32>,
        %get3A_566 = vector.shape_cast %get3A_565 : vector<1x16xi32> to vector<16xi32>
        %shift_left3A_567 = arith.constant 16 : i32
        %shift_left3A_568 = vector.broadcast %shift_left3A_567 : i32 to vector<16xi32>
        %shift_left3A_569 = arith.shli %get3A_566, %shift_left3A_568 : vector<16xi32>
        %bitcast_convert_type3A_570 = tpu.bitcast %shift_left3A_569 : vector<16xi32> -> vector<16xf32>
        %and3A_571 = arith.constant -65536 : i32
        %and3A_572 = vector.broadcast %and3A_571 : i32 to vector<16xi32>
        %and3A_573 = arith.andi %get3A_566, %and3A_572 : vector<16xi32>
        %bitcast_convert_type3A_574 = tpu.bitcast %and3A_573 : vector<16xi32> -> vector<16xf32>
        %add3A_575 = arith.addf %add3A_515, %bitcast_convert_type3A_570 : vector<16xf32>
        %add3A_576 = arith.addf %add3A_516, %bitcast_convert_type3A_574 : vector<16xf32>
        %get3A_577 = arith.index_cast %add3A_534 : i32 to index
        %get3A_578 = arith.constant 48 : index
        %get3A_579 = tpu.vector_load %arg7[%get3A_577, %get3A_578] {strides = array<i32>} : memref<200x64xi32, #tpu.memory_space<vmem>>, vector<1x16xi32>,
        %get3A_580 = vector.shape_cast %get3A_579 : vector<1x16xi32> to vector<16xi32>
        %shift_left3A_581 = arith.constant 16 : i32
        %shift_left3A_582 = vector.broadcast %shift_left3A_581 : i32 to vector<16xi32>
        %shift_left3A_583 = arith.shli %get3A_580, %shift_left3A_582 : vector<16xi32>
        %bitcast_convert_type3A_584 = tpu.bitcast %shift_left3A_583 : vector<16xi32> -> vector<16xf32>
        %and3A_585 = arith.constant -65536 : i32
        %and3A_586 = vector.broadcast %and3A_585 : i32 to vector<16xi32>
        %and3A_587 = arith.andi %get3A_580, %and3A_586 : vector<16xi32>
        %bitcast_convert_type3A_588 = tpu.bitcast %and3A_587 : vector<16xi32> -> vector<16xf32>
        %add3A_589 = arith.addf %add3A_529, %bitcast_convert_type3A_584 : vector<16xf32>
        %add3A_590 = arith.addf %add3A_530, %bitcast_convert_type3A_588 : vector<16xf32>
        %mul3A_591 = arith.constant 8 : i32
        %mul3A_592 = arith.muli %scan3A_226, %mul3A_591 : i32
        %add3A_593 = arith.constant 6 : i32
        %add3A_594 = arith.addi %mul3A_592, %add3A_593 : i32
        %get3A_595 = arith.index_cast %add3A_594 : i32 to index
        %get3A_596 = arith.constant 0 : index
        %get3A_597 = tpu.vector_load %arg7[%get3A_595, %get3A_596] {strides = array<i32>} : memref<200x64xi32, #tpu.memory_space<vmem>>, vector<1x16xi32>,
        %get3A_598 = vector.shape_cast %get3A_597 : vector<1x16xi32> to vector<16xi32>
        %shift_left3A_599 = arith.constant 16 : i32
        %shift_left3A_600 = vector.broadcast %shift_left3A_599 : i32 to vector<16xi32>
        %shift_left3A_601 = arith.shli %get3A_598, %shift_left3A_600 : vector<16xi32>
        %bitcast_convert_type3A_602 = tpu.bitcast %shift_left3A_601 : vector<16xi32> -> vector<16xf32>
        %and3A_603 = arith.constant -65536 : i32
        %and3A_604 = vector.broadcast %and3A_603 : i32 to vector<16xi32>
        %and3A_605 = arith.andi %get3A_598, %and3A_604 : vector<16xi32>
        %bitcast_convert_type3A_606 = tpu.bitcast %and3A_605 : vector<16xi32> -> vector<16xf32>
        %add3A_607 = arith.addf %add3A_547, %bitcast_convert_type3A_602 : vector<16xf32>
        %add3A_608 = arith.addf %add3A_548, %bitcast_convert_type3A_606 : vector<16xf32>
        %get3A_609 = arith.index_cast %add3A_594 : i32 to index
        %get3A_610 = arith.constant 16 : index
        %get3A_611 = tpu.vector_load %arg7[%get3A_609, %get3A_610] {strides = array<i32>} : memref<200x64xi32, #tpu.memory_space<vmem>>, vector<1x16xi32>,
        %get3A_612 = vector.shape_cast %get3A_611 : vector<1x16xi32> to vector<16xi32>
        %shift_left3A_613 = arith.constant 16 : i32
        %shift_left3A_614 = vector.broadcast %shift_left3A_613 : i32 to vector<16xi32>
        %shift_left3A_615 = arith.shli %get3A_612, %shift_left3A_614 : vector<16xi32>
        %bitcast_convert_type3A_616 = tpu.bitcast %shift_left3A_615 : vector<16xi32> -> vector<16xf32>
        %and3A_617 = arith.constant -65536 : i32
        %and3A_618 = vector.broadcast %and3A_617 : i32 to vector<16xi32>
        %and3A_619 = arith.andi %get3A_612, %and3A_618 : vector<16xi32>
        %bitcast_convert_type3A_620 = tpu.bitcast %and3A_619 : vector<16xi32> -> vector<16xf32>
        %add3A_621 = arith.addf %add3A_561, %bitcast_convert_type3A_616 : vector<16xf32>
        %add3A_622 = arith.addf %add3A_562, %bitcast_convert_type3A_620 : vector<16xf32>
        %get3A_623 = arith.index_cast %add3A_594 : i32 to index
        %get3A_624 = arith.constant 32 : index
        %get3A_625 = tpu.vector_load %arg7[%get3A_623, %get3A_624] {strides = array<i32>} : memref<200x64xi32, #tpu.memory_space<vmem>>, vector<1x16xi32>,
        %get3A_626 = vector.shape_cast %get3A_625 : vector<1x16xi32> to vector<16xi32>
        %shift_left3A_627 = arith.constant 16 : i32
        %shift_left3A_628 = vector.broadcast %shift_left3A_627 : i32 to vector<16xi32>
        %shift_left3A_629 = arith.shli %get3A_626, %shift_left3A_628 : vector<16xi32>
        %bitcast_convert_type3A_630 = tpu.bitcast %shift_left3A_629 : vector<16xi32> -> vector<16xf32>
        %and3A_631 = arith.constant -65536 : i32
        %and3A_632 = vector.broadcast %and3A_631 : i32 to vector<16xi32>
        %and3A_633 = arith.andi %get3A_626, %and3A_632 : vector<16xi32>
        %bitcast_convert_type3A_634 = tpu.bitcast %and3A_633 : vector<16xi32> -> vector<16xf32>
        %add3A_635 = arith.addf %add3A_575, %bitcast_convert_type3A_630 : vector<16xf32>
        %add3A_636 = arith.addf %add3A_576, %bitcast_convert_type3A_634 : vector<16xf32>
        %get3A_637 = arith.index_cast %add3A_594 : i32 to index
        %get3A_638 = arith.constant 48 : index
        %get3A_639 = tpu.vector_load %arg7[%get3A_637, %get3A_638] {strides = array<i32>} : memref<200x64xi32, #tpu.memory_space<vmem>>, vector<1x16xi32>,
        %get3A_640 = vector.shape_cast %get3A_639 : vector<1x16xi32> to vector<16xi32>
        %shift_left3A_641 = arith.constant 16 : i32
        %shift_left3A_642 = vector.broadcast %shift_left3A_641 : i32 to vector<16xi32>
        %shift_left3A_643 = arith.shli %get3A_640, %shift_left3A_642 : vector<16xi32>
        %bitcast_convert_type3A_644 = tpu.bitcast %shift_left3A_643 : vector<16xi32> -> vector<16xf32>
        %and3A_645 = arith.constant -65536 : i32
        %and3A_646 = vector.broadcast %and3A_645 : i32 to vector<16xi32>
        %and3A_647 = arith.andi %get3A_640, %and3A_646 : vector<16xi32>
        %bitcast_convert_type3A_648 = tpu.bitcast %and3A_647 : vector<16xi32> -> vector<16xf32>
        %add3A_649 = arith.addf %add3A_589, %bitcast_convert_type3A_644 : vector<16xf32>
        %add3A_650 = arith.addf %add3A_590, %bitcast_convert_type3A_648 : vector<16xf32>
        %mul3A_651 = arith.constant 8 : i32
        %mul3A_652 = arith.muli %scan3A_226, %mul3A_651 : i32
        %add3A_653 = arith.constant 7 : i32
        %add3A_654 = arith.addi %mul3A_652, %add3A_653 : i32
        %get3A_655 = arith.index_cast %add3A_654 : i32 to index
        %get3A_656 = arith.constant 0 : index
        %get3A_657 = tpu.vector_load %arg7[%get3A_655, %get3A_656] {strides = array<i32>} : memref<200x64xi32, #tpu.memory_space<vmem>>, vector<1x16xi32>,
        %get3A_658 = vector.shape_cast %get3A_657 : vector<1x16xi32> to vector<16xi32>
        %shift_left3A_659 = arith.constant 16 : i32
        %shift_left3A_660 = vector.broadcast %shift_left3A_659 : i32 to vector<16xi32>
        %shift_left3A_661 = arith.shli %get3A_658, %shift_left3A_660 : vector<16xi32>
        %bitcast_convert_type3A_662 = tpu.bitcast %shift_left3A_661 : vector<16xi32> -> vector<16xf32>
        %and3A_663 = arith.constant -65536 : i32
        %and3A_664 = vector.broadcast %and3A_663 : i32 to vector<16xi32>
        %and3A_665 = arith.andi %get3A_658, %and3A_664 : vector<16xi32>
        %bitcast_convert_type3A_666 = tpu.bitcast %and3A_665 : vector<16xi32> -> vector<16xf32>
        %add3A_667 = arith.addf %add3A_607, %bitcast_convert_type3A_662 : vector<16xf32>
        %add3A_668 = arith.addf %add3A_608, %bitcast_convert_type3A_666 : vector<16xf32>
        %get3A_669 = arith.index_cast %add3A_654 : i32 to index
        %get3A_670 = arith.constant 16 : index
        %get3A_671 = tpu.vector_load %arg7[%get3A_669, %get3A_670] {strides = array<i32>} : memref<200x64xi32, #tpu.memory_space<vmem>>, vector<1x16xi32>,
        %get3A_672 = vector.shape_cast %get3A_671 : vector<1x16xi32> to vector<16xi32>
        %shift_left3A_673 = arith.constant 16 : i32
        %shift_left3A_674 = vector.broadcast %shift_left3A_673 : i32 to vector<16xi32>
        %shift_left3A_675 = arith.shli %get3A_672, %shift_left3A_674 : vector<16xi32>
        %bitcast_convert_type3A_676 = tpu.bitcast %shift_left3A_675 : vector<16xi32> -> vector<16xf32>
        %and3A_677 = arith.constant -65536 : i32
        %and3A_678 = vector.broadcast %and3A_677 : i32 to vector<16xi32>
        %and3A_679 = arith.andi %get3A_672, %and3A_678 : vector<16xi32>
        %bitcast_convert_type3A_680 = tpu.bitcast %and3A_679 : vector<16xi32> -> vector<16xf32>
        %add3A_681 = arith.addf %add3A_621, %bitcast_convert_type3A_676 : vector<16xf32>
        %add3A_682 = arith.addf %add3A_622, %bitcast_convert_type3A_680 : vector<16xf32>
        %get3A_683 = arith.index_cast %add3A_654 : i32 to index
        %get3A_684 = arith.constant 32 : index
        %get3A_685 = tpu.vector_load %arg7[%get3A_683, %get3A_684] {strides = array<i32>} : memref<200x64xi32, #tpu.memory_space<vmem>>, vector<1x16xi32>,
        %get3A_686 = vector.shape_cast %get3A_685 : vector<1x16xi32> to vector<16xi32>
        %shift_left3A_687 = arith.constant 16 : i32
        %shift_left3A_688 = vector.broadcast %shift_left3A_687 : i32 to vector<16xi32>
        %shift_left3A_689 = arith.shli %get3A_686, %shift_left3A_688 : vector<16xi32>
        %bitcast_convert_type3A_690 = tpu.bitcast %shift_left3A_689 : vector<16xi32> -> vector<16xf32>
        %and3A_691 = arith.constant -65536 : i32
        %and3A_692 = vector.broadcast %and3A_691 : i32 to vector<16xi32>
        %and3A_693 = arith.andi %get3A_686, %and3A_692 : vector<16xi32>
        %bitcast_convert_type3A_694 = tpu.bitcast %and3A_693 : vector<16xi32> -> vector<16xf32>
        %add3A_695 = arith.addf %add3A_635, %bitcast_convert_type3A_690 : vector<16xf32>
        %add3A_696 = arith.addf %add3A_636, %bitcast_convert_type3A_694 : vector<16xf32>
        %get3A_697 = arith.index_cast %add3A_654 : i32 to index
        %get3A_698 = arith.constant 48 : index
        %get3A_699 = tpu.vector_load %arg7[%get3A_697, %get3A_698] {strides = array<i32>} : memref<200x64xi32, #tpu.memory_space<vmem>>, vector<1x16xi32>,
        %get3A_700 = vector.shape_cast %get3A_699 : vector<1x16xi32> to vector<16xi32>
        %shift_left3A_701 = arith.constant 16 : i32
        %shift_left3A_702 = vector.broadcast %shift_left3A_701 : i32 to vector<16xi32>
        %shift_left3A_703 = arith.shli %get3A_700, %shift_left3A_702 : vector<16xi32>
        %bitcast_convert_type3A_704 = tpu.bitcast %shift_left3A_703 : vector<16xi32> -> vector<16xf32>
        %and3A_705 = arith.constant -65536 : i32
        %and3A_706 = vector.broadcast %and3A_705 : i32 to vector<16xi32>
        %and3A_707 = arith.andi %get3A_700, %and3A_706 : vector<16xi32>
        %bitcast_convert_type3A_708 = tpu.bitcast %and3A_707 : vector<16xi32> -> vector<16xf32>
        %add3A_709 = arith.addf %add3A_649, %bitcast_convert_type3A_704 : vector<16xf32>
        %add3A_710 = arith.addf %add3A_650, %bitcast_convert_type3A_708 : vector<16xf32>
        scf.yield %add3A_667, %add3A_668, %add3A_681, %add3A_682, %add3A_695, %add3A_696, %add3A_709, %add3A_710 : vector<16xf32>, vector<16xf32>, vector<16xf32>, vector<16xf32>, vector<16xf32>, vector<16xf32>, vector<16xf32>, vector<16xf32>
      }
      %scan3A_169 = arith.constant 25 : i32
      %mul3A_170 = vector.broadcast %scan3A_27 : f32 to vector<16xf32>
      %mul3A_171 = arith.mulf %scan3A_168#0, %mul3A_170 : vector<16xf32>
      %swap3A_172 = arith.index_cast %add3A_161 : i32 to index
      %swap3A_173 = arith.constant 0 : index
      %swap3A_174 = tpu.vector_load %arg8[%swap3A_172, %swap3A_173] {strides = array<i32>} : memref<128x128xf32, #tpu.memory_space<vmem>>, vector<1x16xf32>,
      %swap3A_175 = vector.shape_cast %swap3A_174 : vector<1x16xf32> to vector<16xf32>
      %swap3A_176 = vector.shape_cast %mul3A_171 : vector<16xf32> to vector<1x16xf32>
      tpu.vector_store %arg8[%swap3A_172, %swap3A_173], %swap3A_176 {strides = array<i32>} : memref<128x128xf32, #tpu.memory_space<vmem>>, vector<1x16xf32>,
      %mul3A_177 = vector.broadcast %scan3A_27 : f32 to vector<16xf32>
      %mul3A_178 = arith.mulf %scan3A_168#1, %mul3A_177 : vector<16xf32>
      %swap3A_179 = arith.index_cast %add3A_161 : i32 to index
      %swap3A_180 = arith.constant 64 : index
      %swap3A_181 = tpu.vector_load %arg8[%swap3A_179, %swap3A_180] {strides = array<i32>} : memref<128x128xf32, #tpu.memory_space<vmem>>, vector<1x16xf32>,
      %swap3A_182 = vector.shape_cast %swap3A_181 : vector<1x16xf32> to vector<16xf32>
      %swap3A_183 = vector.shape_cast %mul3A_178 : vector<16xf32> to vector<1x16xf32>
      tpu.vector_store %arg8[%swap3A_179, %swap3A_180], %swap3A_183 {strides = array<i32>} : memref<128x128xf32, #tpu.memory_space<vmem>>, vector<1x16xf32>,
      %mul3A_184 = vector.broadcast %scan3A_27 : f32 to vector<16xf32>
      %mul3A_185 = arith.mulf %scan3A_168#2, %mul3A_184 : vector<16xf32>
      %swap3A_186 = arith.index_cast %add3A_161 : i32 to index
      %swap3A_187 = arith.constant 16 : index
      %swap3A_188 = tpu.vector_load %arg8[%swap3A_186, %swap3A_187] {strides = array<i32>} : memref<128x128xf32, #tpu.memory_space<vmem>>, vector<1x16xf32>,
      %swap3A_189 = vector.shape_cast %swap3A_188 : vector<1x16xf32> to vector<16xf32>
      %swap3A_190 = vector.shape_cast %mul3A_185 : vector<16xf32> to vector<1x16xf32>
      tpu.vector_store %arg8[%swap3A_186, %swap3A_187], %swap3A_190 {strides = array<i32>} : memref<128x128xf32, #tpu.memory_space<vmem>>, vector<1x16xf32>,
      %mul3A_191 = vector.broadcast %scan3A_27 : f32 to vector<16xf32>
      %mul3A_192 = arith.mulf %scan3A_168#3, %mul3A_191 : vector<16xf32>
      %swap3A_193 = arith.index_cast %add3A_161 : i32 to index
      %swap3A_194 = arith.constant 80 : index
      %swap3A_195 = tpu.vector_load %arg8[%swap3A_193, %swap3A_194] {strides = array<i32>} : memref<128x128xf32, #tpu.memory_space<vmem>>, vector<1x16xf32>,
      %swap3A_196 = vector.shape_cast %swap3A_195 : vector<1x16xf32> to vector<16xf32>
      %swap3A_197 = vector.shape_cast %mul3A_192 : vector<16xf32> to vector<1x16xf32>
      tpu.vector_store %arg8[%swap3A_193, %swap3A_194], %swap3A_197 {strides = array<i32>} : memref<128x128xf32, #tpu.memory_space<vmem>>, vector<1x16xf32>,
      %mul3A_198 = vector.broadcast %scan3A_27 : f32 to vector<16xf32>
      %mul3A_199 = arith.mulf %scan3A_168#4, %mul3A_198 : vector<16xf32>
      %swap3A_200 = arith.index_cast %add3A_161 : i32 to index
      %swap3A_201 = arith.constant 32 : index
      %swap3A_202 = tpu.vector_load %arg8[%swap3A_200, %swap3A_201] {strides = array<i32>} : memref<128x128xf32, #tpu.memory_space<vmem>>, vector<1x16xf32>,
      %swap3A_203 = vector.shape_cast %swap3A_202 : vector<1x16xf32> to vector<16xf32>
      %swap3A_204 = vector.shape_cast %mul3A_199 : vector<16xf32> to vector<1x16xf32>
      tpu.vector_store %arg8[%swap3A_200, %swap3A_201], %swap3A_204 {strides = array<i32>} : memref<128x128xf32, #tpu.memory_space<vmem>>, vector<1x16xf32>,
      %mul3A_205 = vector.broadcast %scan3A_27 : f32 to vector<16xf32>
      %mul3A_206 = arith.mulf %scan3A_168#5, %mul3A_205 : vector<16xf32>
      %swap3A_207 = arith.index_cast %add3A_161 : i32 to index
      %swap3A_208 = arith.constant 96 : index
      %swap3A_209 = tpu.vector_load %arg8[%swap3A_207, %swap3A_208] {strides = array<i32>} : memref<128x128xf32, #tpu.memory_space<vmem>>, vector<1x16xf32>,
      %swap3A_210 = vector.shape_cast %swap3A_209 : vector<1x16xf32> to vector<16xf32>
      %swap3A_211 = vector.shape_cast %mul3A_206 : vector<16xf32> to vector<1x16xf32>
      tpu.vector_store %arg8[%swap3A_207, %swap3A_208], %swap3A_211 {strides = array<i32>} : memref<128x128xf32, #tpu.memory_space<vmem>>, vector<1x16xf32>,
      %mul3A_212 = vector.broadcast %scan3A_27 : f32 to vector<16xf32>
      %mul3A_213 = arith.mulf %scan3A_168#6, %mul3A_212 : vector<16xf32>
      %swap3A_214 = arith.index_cast %add3A_161 : i32 to index
      %swap3A_215 = arith.constant 48 : index
      %swap3A_216 = tpu.vector_load %arg8[%swap3A_214, %swap3A_215] {strides = array<i32>} : memref<128x128xf32, #tpu.memory_space<vmem>>, vector<1x16xf32>,
      %swap3A_217 = vector.shape_cast %swap3A_216 : vector<1x16xf32> to vector<16xf32>
      %swap3A_218 = vector.shape_cast %mul3A_213 : vector<16xf32> to vector<1x16xf32>
      tpu.vector_store %arg8[%swap3A_214, %swap3A_215], %swap3A_218 {strides = array<i32>} : memref<128x128xf32, #tpu.memory_space<vmem>>, vector<1x16xf32>,
      %mul3A_219 = vector.broadcast %scan3A_27 : f32 to vector<16xf32>
      %mul3A_220 = arith.mulf %scan3A_168#7, %mul3A_219 : vector<16xf32>
      %swap3A_221 = arith.index_cast %add3A_161 : i32 to index
      %swap3A_222 = arith.constant 112 : index
      %swap3A_223 = tpu.vector_load %arg8[%swap3A_221, %swap3A_222] {strides = array<i32>} : memref<128x128xf32, #tpu.memory_space<vmem>>, vector<1x16xf32>,
      %swap3A_224 = vector.shape_cast %swap3A_223 : vector<1x16xf32> to vector<16xf32>
      %swap3A_225 = vector.shape_cast %mul3A_220 : vector<16xf32> to vector<1x16xf32>
      tpu.vector_store %arg8[%swap3A_221, %swap3A_222], %swap3A_225 {strides = array<i32>} : memref<128x128xf32, #tpu.memory_space<vmem>>, vector<1x16xf32>,
    }
    %scan3A_32 = arith.constant 64 : i32
    "tpu.region"() ({
      %run_scoped3A = tpu.sem_alloc : memref<!tpu.dma_semaphore, #tpu.memory_space<semaphore_mem>>
      %dma_start3A_33 = arith.constant 0 : i32
      %dma_start3A_34 = tpu.memref_slice %arg4[%mul3A_2, %dma_start3A_33] : memref<4096x128xf32, #tpu.memory_space<hbm>> -> memref<128x128xf32, #tpu.memory_space<hbm>>
      %dma_start3A_35 = arith.constant 0 : i32
      %dma_start3A_36 = tpu.memref_slice %arg4[%mul3A_2, %dma_start3A_35] : memref<4096x128xf32, #tpu.memory_space<hbm>> -> memref<128x128xf32, #tpu.memory_space<hbm>>
      tpu.enqueue_dma source(%arg8 : memref<128x128xf32, #tpu.memory_space<vmem>>) target(%dma_start3A_36 : memref<128x128xf32, #tpu.memory_space<hbm>>) target_semaphore(%run_scoped3A : memref<!tpu.dma_semaphore, #tpu.memory_space<semaphore_mem>>)
      %dma_wait3A = arith.constant 0 : i32
      %dma_wait3A_37 = tpu.memref_slice %arg4[%mul3A_2, %dma_wait3A] : memref<4096x128xf32, #tpu.memory_space<hbm>> -> memref<128x128xf32, #tpu.memory_space<hbm>>
      %dma_wait3A_38 = arith.constant 0 : i32
      %dma_wait3A_39 = tpu.memref_slice %arg4[%mul3A_2, %dma_wait3A_38] : memref<4096x128xf32, #tpu.memory_space<hbm>> -> memref<128x128xf32, #tpu.memory_space<hbm>>
      tpu.wait_dma2 semaphore(%run_scoped3A : memref<!tpu.dma_semaphore, #tpu.memory_space<semaphore_mem>>) src(%arg8 : memref<128x128xf32, #tpu.memory_space<vmem>>) dst(%dma_wait3A_39 : memref<128x128xf32, #tpu.memory_space<hbm>>)
      tpu.yield
    }) : () -> ()
    return
  }
}

module attributes {stable_mosaic.version = 14 : i64} {
  func.func @_project_body(%arg0: i32, %arg1: memref<64x32768xf32, #tpu.memory_space<vmem>>, %arg2: memref<128x64xf32, #tpu.memory_space<vmem>>, %arg3: memref<1x128xf32, #tpu.memory_space<vmem>>, %arg4: memref<16384x128xi32, #tpu.memory_space<vmem>>) attributes {dimension_semantics = [#tpu.dimension_semantics<arbitrary>], iteration_bounds = array<i64: 31>, scalar_prefetch = 0 : i64, scratch_operands = 0 : i64, tpu.core_type = #tpu.core_type<tc>, window_params = [{transform_indices = @transform_0, window_bounds = array<i64: 64, 32768>}, {pipeline_mode = #tpu.pipeline_mode<synchronous>, transform_indices = @transform_1, window_bounds = array<i64: 128, 64>}, {pipeline_mode = #tpu.pipeline_mode<synchronous>, transform_indices = @transform_2, window_bounds = array<i64: 1, 128>}, {transform_indices = @transform_3, window_bounds = array<i64: 16384, 128>}]} {
    %get3A = arith.constant 0 : index
    %get3A_0 = arith.constant 0 : index
    %get3A_1 = vector.load %arg1[%get3A, %get3A_0] : memref<64x32768xf32, #tpu.memory_space<vmem>>, vector<64x32768xf32>
    %convert_element_type3A = arith.truncf %get3A_1 : vector<64x32768xf32> to vector<64x32768xbf16>
    %get3A_2 = arith.constant 0 : index
    %get3A_3 = arith.constant 0 : index
    %get3A_4 = vector.load %arg2[%get3A_2, %get3A_3] : memref<128x64xf32, #tpu.memory_space<vmem>>, vector<128x64xf32>
    %convert_element_type3A_5 = arith.truncf %get3A_4 : vector<128x64xf32> to vector<128x64xbf16>
    %dot_general3A = arith.constant dense<0.000000e+00> : vector<32768x128xf32>
    %dot_general3A_6 = tpu.matmul %convert_element_type3A, %convert_element_type3A_5, %dot_general3A {dimension_numbers = #tpu.dot_dimension_numbers<[0], [1], [1], [0], [0, 1, 1, 0], [], []>, transpose_lhs_hint = false} : vector<64x32768xbf16>, vector<128x64xbf16>, vector<32768x128xf32> -> vector<32768x128xf32>
    %get3A_7 = arith.constant 0 : index
    %get3A_8 = arith.constant 0 : index
    %get3A_9 = vector.load %arg3[%get3A_7, %get3A_8] : memref<1x128xf32, #tpu.memory_space<vmem>>, vector<1x128xf32>
    %add3A = vector.broadcast %get3A_9 : vector<1x128xf32> to vector<32768x128xf32>
    %add3A_10 = arith.addf %dot_general3A_6, %add3A : vector<32768x128xf32>
    %slice3A = vector.extract_strided_slice %add3A_10 {offsets = [0, 0], sizes = [16384, 128], strides = [1, 1]} : vector<32768x128xf32> to vector<16384x128xf32>
    %slice3A_11 = vector.extract_strided_slice %slice3A {offsets = [0, 0], sizes = [16384, 64], strides = [1, 1]} : vector<16384x128xf32> to vector<16384x64xf32>
    %convert_element_type3A_12 = arith.truncf %slice3A_11 : vector<16384x64xf32> to vector<16384x64xbf16>
    %bitcast_convert_type3A = tpu.bitcast %convert_element_type3A_12 : vector<16384x64xbf16> -> vector<16384x64xi16>
    %convert_element_type3A_13 = arith.extui %bitcast_convert_type3A : vector<16384x64xi16> to vector<16384x64xi32>
    %slice3A_14 = vector.extract_strided_slice %slice3A {offsets = [0, 64], sizes = [16384, 64], strides = [1, 1]} : vector<16384x128xf32> to vector<16384x64xf32>
    %convert_element_type3A_15 = arith.truncf %slice3A_14 : vector<16384x64xf32> to vector<16384x64xbf16>
    %bitcast_convert_type3A_16 = tpu.bitcast %convert_element_type3A_15 : vector<16384x64xbf16> -> vector<16384x64xi16>
    %convert_element_type3A_17 = arith.extui %bitcast_convert_type3A_16 : vector<16384x64xi16> to vector<16384x64xi32>
    %shift_left3A = arith.constant 16 : i32
    %shift_left3A_18 = vector.broadcast %shift_left3A : i32 to vector<16384x64xi32>
    %shift_left3A_19 = arith.shli %convert_element_type3A_17, %shift_left3A_18 : vector<16384x64xi32>
    %or3A = arith.ori %shift_left3A_19, %convert_element_type3A_13 : vector<16384x64xi32>
    %bitcast_convert_type3A_20 = tpu.bitcast %or3A : vector<16384x64xi32> -> vector<16384x64xi32>
    %slice3A_21 = vector.extract_strided_slice %add3A_10 {offsets = [16384, 0], sizes = [16384, 128], strides = [1, 1]} : vector<32768x128xf32> to vector<16384x128xf32>
    %slice3A_22 = vector.extract_strided_slice %slice3A_21 {offsets = [0, 0], sizes = [16384, 64], strides = [1, 1]} : vector<16384x128xf32> to vector<16384x64xf32>
    %convert_element_type3A_23 = arith.truncf %slice3A_22 : vector<16384x64xf32> to vector<16384x64xbf16>
    %bitcast_convert_type3A_24 = tpu.bitcast %convert_element_type3A_23 : vector<16384x64xbf16> -> vector<16384x64xi16>
    %convert_element_type3A_25 = arith.extui %bitcast_convert_type3A_24 : vector<16384x64xi16> to vector<16384x64xi32>
    %slice3A_26 = vector.extract_strided_slice %slice3A_21 {offsets = [0, 64], sizes = [16384, 64], strides = [1, 1]} : vector<16384x128xf32> to vector<16384x64xf32>
    %convert_element_type3A_27 = arith.truncf %slice3A_26 : vector<16384x64xf32> to vector<16384x64xbf16>
    %bitcast_convert_type3A_28 = tpu.bitcast %convert_element_type3A_27 : vector<16384x64xbf16> -> vector<16384x64xi16>
    %convert_element_type3A_29 = arith.extui %bitcast_convert_type3A_28 : vector<16384x64xi16> to vector<16384x64xi32>
    %shift_left3A_30 = arith.constant 16 : i32
    %shift_left3A_31 = vector.broadcast %shift_left3A_30 : i32 to vector<16384x64xi32>
    %shift_left3A_32 = arith.shli %convert_element_type3A_29, %shift_left3A_31 : vector<16384x64xi32>
    %or3A_33 = arith.ori %shift_left3A_32, %convert_element_type3A_25 : vector<16384x64xi32>
    %bitcast_convert_type3A_34 = tpu.bitcast %or3A_33 : vector<16384x64xi32> -> vector<16384x64xi32>
    %concatenate3A = tpu.concatenate %bitcast_convert_type3A_20, %bitcast_convert_type3A_34 in 1 : vector<16384x64xi32>, vector<16384x64xi32> -> vector<16384x128xi32>
    %swap3A = arith.constant 0 : index
    %swap3A_35 = arith.constant 0 : index
    %swap3A_36 = vector.load %arg4[%swap3A, %swap3A_35] : memref<16384x128xi32, #tpu.memory_space<vmem>>, vector<16384x128xi32>
    tpu.vector_store %arg4[%swap3A, %swap3A_35], %concatenate3A {strides = array<i32>} : memref<16384x128xi32, #tpu.memory_space<vmem>>, vector<16384x128xi32>,
    return
  }
  func.func @transform_0(%arg0: i32) -> (i32, i32) {
    %c0_i32 = arith.constant 0 : i32
    %c0_i32_0 = arith.constant 0 : i32
    return %c0_i32, %arg0 : i32, i32
  }
  func.func @transform_1(%arg0: i32) -> (i32, i32) {
    %c0_i32 = arith.constant 0 : i32
    %c0_i32_0 = arith.constant 0 : i32
    %c0_i32_1 = arith.constant 0 : i32
    return %c0_i32, %c0_i32_0 : i32, i32
  }
  func.func @transform_2(%arg0: i32) -> (i32, i32) {
    %c0_i32 = arith.constant 0 : i32
    %c0_i32_0 = arith.constant 0 : i32
    %c0_i32_1 = arith.constant 0 : i32
    return %c0_i32, %c0_i32_0 : i32, i32
  }
  func.func @transform_3(%arg0: i32) -> (i32, i32) {
    %c0_i32 = arith.constant 0 : i32
    %c0_i32_0 = arith.constant 0 : i32
    return %arg0, %c0_i32 : i32, i32
  }
}

</mosaic_0001>

<sc_bundles>
// kernel: kernel.4.cloned.1.call-start
scs
__scs_entry_jumppad:
0x0: {  	(pc) =	sbr.rel $0x88, $3  }
0x1: {  	(tag) =	ssettag $0x0;
	lr =	simm.s32 $0x1  }
0x2: {  	[smem:$0x3F9D] =	sst lr;
	_ =	strace $0xD0000000  }
0x3: {  	_ = 	snop  }
0x4: {  	_ = 	snop  }
0x5: {  	_ = 	snop  }
0x6: {  	_ = 	snop  }
0x7: {  	_ = 	snop  }
__scs_overlays_trampoline_lowered:
0x8: {  	[smem:$0x3FAC] =	sst s0  }
0x9: {  	[smem:$0x3FAD] =	sst s1  }
0xa: {  	[smem:$0x3FAE] =	sst s2  }
0xb: {  	[smem:$0x3FAF] =	sst s3  }
0xc: {  	[smem:$0x3FB0] =	sst s4  }
0xd: {  	[smem:$0x3FB1] =	sst s5  }
0xe: {  	[smem:$0x3FB2] =	sst s6  }
0xf: {  	[smem:$0x3FB3] =	sst s7  }
0x10: {  	[smem:$0x3FB4] =	sst s8  }
0x11: {  	[smem:$0x3FB5] =	sst s9;
	s0 =	simm.s32 @!p0 $0x0  }
0x12: {  	s1 =	sld [smem:$0x3F9B];
	s0 =	simm.s32 @p0 $0x1  }
0x13: {  	[smem:$0x3FB6] =	sst s0;
	s0 =	simm.s32 @!p1 $0x0  }
0x14: {  	s2 =	sld [smem:$0x3F9A];
	s0 =	simm.s32 @p1 $0x1  }
0x15: {  	[smem:$0x3FB7] =	sst s0;
	s0 =	simm.s32 @!p2 $0x0  }
0x16: {  	s3 =	sld [smem:$0x3FDB];
	s0 =	simm.s32 @p2 $0x1  }
0x17: {  	s4 =	simm.s32 $0x1BF5;
	[smem:$0x3FB9] =	sst s0  }
0x18: {  	s0 =	sld [smem:$0x3F9C];
	_ =	swait.ge [sflag:s4], $0x0  }
0x19: {  	s7 =	sld [smem:$0x3F9D]  }
0x1a: {  	s8 =	sadd.s32 $0xFFFFE003, lr  }
0x1b: {  	s9 =	sadd.s32 $0xFFFFFEF7, lr;
	s5 =	simm.s32 $0xFFFFFFFF;
	p2 =	slt.u32 s8, $0xFFFFF086  }
0x1c: {  	p1 =	slt.u32 s9, $0xF7A;
	s5 =	simm.s32 @!p2 $0x0  }
0x1d: {  	s5 =	simm.s32 @p1 $0x1;
	p0 =	seq.s32 s7, s2  }
0x1e: {  	s7 =	smul.u32 @!p0 $0xF7A, s2;
	p2 =	seq.s32 @!p0 s5, $0x0  }
0x1f: {  	s9 =	smul.u32 $0xF7A, s1;
	s8 =	simm.s32 @!p0 $0x1BF5;
	p2 =	por !p2, p0  }
0x20: {  	[sflag:s8] =	ssyncset.s32 @!p0 $0xFFFFF086;
	s6 =	sadd.s32 @!p0 s3, s7;
	s7 =	simm.s32 @!p0 $0x108  }
0x21: {  	s3 =	sadd.s32 s3, s9;
	s6 =	sadd.s32 @!p0 $0x88, s6;
	s7 =	simm.s32 @p2 $0x1082  }
0x22: {  	[simem:s7], [sflag:s8] =	dma.local @!p0 [hbm:s6], $0xF7A  }
0x23: {  	s9 =	sor.u32 $0xD0000000, s2;
	s6 =	simm.s32 $0x108;
	_ =	swait.ge @!p0 [sflag:s8], $0x0  }
0x24: {  	s3 =	sadd.s32 $0x88, s3;
	s6 =	simm.s32 @!p1 $0x1082;
	[sflag:s4] =	ssyncset.s32 $0xFFFFF086  }
0x25: {  	[simem:s6], [sflag:s4] =	dma.local [hbm:s3], $0xF7A  }
0x26: {  	[smem:$0x3F9D] =	sst s1;
	(tag) =	ssettag s2;
	_ =	strace s9  }
0x27: {  	s1 =	sld [smem:$0x3FAD]  }
0x28: {  	s2 =	sld [smem:$0x3FAE]  }
0x29: {  	s4 =	sld [smem:$0x3FB0]  }
0x2a: {  	p0 =	seq.s32 s5, $0x0;
	s5 =	sld [smem:$0x3FB1]  }
0x2b: {  	s6 =	sld [smem:$0x3FB2]  }
0x2c: {  	s7 =	sld [smem:$0x3FB3]  }
0x2d: {  	s3 =	simm.s32 $0x108;
	s8 =	sld [smem:$0x3FB4]  }
0x2e: {  	s3 =	simm.s32 @!p0 $0x1082;
	s9 =	sld [smem:$0x3FB5]  }
0x2f: {  	lr =	sadd.s32 s0, s3;
	s0 =	sld [smem:$0x3FAC]  }
0x30: {  	s3 =	sld [smem:$0x3FAF]  }
0x31: {  	[smem:$0x3FB8] =	sst s10  }
0x32: {  	s10 =	sld [smem:$0x3FB6];
	_ =	sdelay $0x3  }
0x33: {  	p0 =	seq.s32 s10, $0x1;
	s10 =	sld [smem:$0x3FB8];
	_ =	sdelay $0x3  }
0x34: {  	[smem:$0x3FB8] =	sst s10  }
0x35: {  	s10 =	sld [smem:$0x3FB7];
	_ =	sdelay $0x3  }
0x36: {  	p1 =	seq.s32 s10, $0x1;
	s10 =	sld [smem:$0x3FB8];
	_ =	sdelay $0x3  }
0x37: {  	[smem:$0x3FB8] =	sst s10  }
0x38: {  	s10 =	sld [smem:$0x3FB9]  }
0x39: {  	_ = 	snop;
	(pc) =	sbr.ind lr, $3  }
0x3a: {  	_ = 	snop  }
0x3b: {  	_ = 	snop  }
0x3c: {  	p2 =	seq.s32 s10, $0x1;
	s10 =	sld [smem:$0x3FB8]  }
0x3d: {  	_ =	shalt  }
0x3e: {  	_ =	shalt  }
0x3f: {  	_ =	shalt  }
0x40: {  	_ =	shalt  }
0x41: {  	_ =	shalt  }
0x42: {  	_ =	shalt  }
0x43: {  	_ =	shalt  }
0x44: {  	_ =	shalt  }
0x45: {  	_ =	shalt  }
0x46: {  	_ =	shalt  }
0x47: {  	_ =	shalt  }
0x48: {  	_ =	shalt  }
0x49: {  	_ =	shalt  }
0x4a: {  	_ =	shalt  }
0x4b: {  	_ =	shalt  }
0x4c: {  	_ =	shalt  }
0x4d: {  	_ =	shalt  }
0x4e: {  	_ =	shalt  }
0x4f: {  	_ =	shalt  }
0x50: {  	_ =	shalt  }
0x51: {  	_ =	shalt  }
0x52: {  	_ =	shalt  }
0x53: {  	_ =	shalt  }
0x54: {  	_ =	shalt  }
0x55: {  	_ =	shalt  }
0x56: {  	_ =	shalt  }
0x57: {  	_ =	shalt  }
0x58: {  	_ =	shalt  }
0x59: {  	_ =	shalt  }
0x5a: {  	_ =	shalt  }
0x5b: {  	_ =	shalt  }
0x5c: {  	_ =	shalt  }
0x5d: {  	_ =	shalt  }
0x5e: {  	_ =	shalt  }
0x5f: {  	_ =	shalt  }
0x60: {  	_ =	shalt  }
0x61: {  	_ =	shalt  }
0x62: {  	_ =	shalt  }
0x63: {  	_ =	shalt  }
0x64: {  	_ =	shalt  }
0x65: {  	_ =	shalt  }
0x66: {  	_ =	shalt  }
0x67: {  	_ =	shalt  }
0x68: {  	_ =	shalt  }
0x69: {  	_ =	shalt  }
0x6a: {  	_ =	shalt  }
0x6b: {  	_ =	shalt  }
0x6c: {  	_ =	shalt  }
0x6d: {  	_ =	shalt  }
0x6e: {  	_ =	shalt  }
0x6f: {  	_ =	shalt  }
0x70: {  	_ =	shalt  }
0x71: {  	_ =	shalt  }
0x72: {  	_ =	shalt  }
0x73: {  	_ =	shalt  }
0x74: {  	_ =	shalt  }
0x75: {  	_ =	shalt  }
0x76: {  	_ =	shalt  }
0x77: {  	_ =	shalt  }
0x78: {  	_ =	shalt  }
0x79: {  	_ =	shalt  }
0x7a: {  	_ =	shalt  }
0x7b: {  	_ =	shalt  }
0x7c: {  	_ =	shalt  }
0x7d: {  	_ =	shalt  }
0x7e: {  	_ =	shalt  }
0x7f: {  	_ =	shalt  }
0x80: {  	_ =	shalt  }
0x81: {  	_ =	shalt  }
0x82: {  	_ =	shalt  }
0x83: {  	_ =	shalt  }
0x84: {  	_ =	shalt  }
0x85: {  	_ =	shalt  }
0x86: {  	_ =	shalt  }
0x87: {  	_ =	shalt  }
.Lfunc_end0:
.L_simem_size_0:
called_computation_lowered:
.L_overlay_start_0:
0x88: {  	s2 =	sld [smem:$0x3FD9]  }
0x89: {  	s3 =	sld [smem:$0x3FFE];
	_ =	sdelay $0x1  }
0x8a: {  	s1 =	srdreg.scid  }
0x8b: {  	s0 =	sand.u32 $0x1, s1  }
0x8c: {  	s17 =	sshll.u32 s0, $0xA;
	s2 =	sadd.s32 s3, s2  }
0x8d: {  	s2 =	sadd.s32 s2, s17  }
0x8e: {  	[smem:$0x3FC4] =	sst s2  }
0x8f: {  	_ = 	snop  }
0x90: {  	s2 =	sld [smem:$0x3FD0];
	(tm) =	ssettm $0x1  }
0x91: {  	s18 =	sld [smem:$0x3FFB];
	_ =	sdelay $0x3  }
0x92: {  	_ =	strace s18  }
0x93: {  	s3 =	sld [smem:$0x3FFC];
	_ =	sdelay $0x3  }
0x94: {  	_ =	strace s3  }
0x95: {  	s3 =	sld [smem:$0x3FFD];
	_ =	sdelay $0x3  }
0x96: {  	_ =	strace s3  }
0x97: {  	_ =	strace $0x8FFFFFFF  }
0x98: {  	s19 =	sld [smem:$0x3FDB];
	_ =	sdelay $0x1  }
0x99: {  	s4 =	simm.s32 $_scs_section_size  }
0x9a: {  	s5 =	simm.s32 $_size__tile_overlayer_lowered;
	s6 =	simm.s32 $_tile_overlayer_lowered  }
0x9b: {  	s22 =	simm.s32 $0x1BFF;
	s21 =	sshll.u32 s6, $0x1;
	s3 =	sadd.s32 s4, s19  }
0x9c: {  	s7 =	simm.s32 $0x0;
	s20 =	sshll.u32 s5, $0x1;
	s5 =	sadd.s32 s21, s3  }
0x9d: {  	[timem:s7], [sflag:s22] =	dma.local [hbm:s5], s20  }
0x9e: {  	_ =	swait.ge [sflag:s22], s20  }
0x9f: {  	s4 =	ssub.s32 $0x0, s20;
	[sflag:s22] =	ssyncset.done $0x0  }
0xa0: {  	[sflag:s22] =	ssyncadd.s32 s4;
	_ =	sdelay $0x1  }
0xa1: {  	s23 =	simm.s32 $0x1B8B  }
0xa2: {  	_ =	swait.ge [sflag:s23], $0x1  }
0xa3: {  	[sflag:s23] =	ssyncset.done $0x0  }
0xa4: {  	s25 =	simm.s32 $0x1B8E;
	s24 =	sld [smem:$0x3FFE];
	[sflag:s23] =	ssyncadd.s32 $0xFFFFFFFF  }
0xa5: {  	s26 =	simm.s32 $execute0_lowered;
	[smem:$0x3FD2] =	sst s25  }
0xa6: {  	s5 =	sshll.u32 s26, $0x1;
	_ =	strace $0x80000046;
	[dreg:$0x1] =	wrdreg $0xFFFFFFFF  }
0xa7: {  	s28 =	simm.s32 $_size_execute0_lowered;
	s3 =	sadd.s32 s3, s5;
	[dreg:$0x0] =	wrdreg $0x0  }
0xa8: {  	s5 =	sshll.u32 s28, $0x1;
	[dreg:$0x2] =	wrdreg s3  }
0xa9: {  	[dreg:$0x3] =	wrdreg s5  }
0xaa: {  	[dreg:$0x4] =	wrdreg $0xC0  }
0xab: {  	_ =	task [dreg:s7], $0x5FFFF  }
0xac: {  	[dreg:$0x1] =	wrdreg $0xFFFFFFFF  }
0xad: {  	[dreg:$0x0] =	wrdreg $0x60  }
0xae: {  	[dreg:$0x2] =	wrdreg s24  }
0xaf: {  	[dreg:$0x3] =	wrdreg s2  }
0xb0: {  	[dreg:$0x4] =	wrdreg $0x9  }
0xb1: {  	_ =	task.clear_ibuf [dreg:s7], $0x5FFFF;
	_ =	strace $0x90000046  }
0xb2: {  	s29 =	simm.s32 $0x9;
	_ =	strace $0x80000048  }
0xb3: {  	_ =	swait.ge [sflag:s29], $0x1  }
0xb4: {  	[sflag:s29] =	ssyncadd.s32 $0xFFFFFFFF  }
0xb5: {  	_ =	strace $0x90000048  }
0xb6: {  	_ =	sfence  }
0xb7: {  	s30 =	sld [smem:$0x0];
	_ =	sdelay $0x2  }
0xb8: {  	s31 =	sshll.u32 s1, $0xD;
	s1 =	sshrl.u32 s1, $0x2  }
0xb9: {  	s3 =	sand.u32 $0x4000, s31;
	s1 =	sadd.s32 s1, s30  }
0xba: {  	s0 =	sor.u32 s3, s0;
	s1 =	sshll.u32 s1, $0x11  }
0xbb: {  	s0 =	sor.u32 s1, s0  }
0xbc: {  	s0 =	sadd.s32 $0x8F2B, s0  }
0xbd: {  	[sflag:s0] =	ssyncadd.remote.s32 $0x1  }
0xbe: {  	_ =	sfence.sel $0xFFFF  }
0xbf: {  	[dreg:$0x0] =	wrdreg $0xFFFFFFFF;
	(pc) =	sbr.abs _section_cstart, $3  }
0xc0: {  	[dreg:$0x1] =	wrdreg $0xFFFFFFFF  }
0xc1: {  	_ =	task.clear_ibuf [dreg:s7], $0x2FFFF;
	_ =	strace $0x9FFFFFFF  }
0xc2: {  	(tm) =	ssettm $0x7FFFFFFF  }
0xc3: {  	_ =	shalt  }
tec
execute0_lowered:
.L_overlay_start_1:
0x0: {  	(tag) =	ssettag $0x1  }
0x1: {  	s0 =	srdreg.scid;
	s4 =	rddreg [dreg:$0x0]  }
0x2: {  	s5 =	rddreg [dreg:$0x1];
	s2 =	simm.s32 $0x0;
	s9 =	simm.s32 $0x6400  }
0x3: {  	s10 =	simm.s32 $0x48;
	s11 =	simm.s32 $0x8400;
	s12 =	simm.s32 $0x9600  }
0x4: {  	s13 =	simm.s32 $0xB600;
	s14 =	simm.s32 $0x1;
	s15 =	simm.s32 $0x2  }
0x5: {  	s16 =	simm.s32 $0xC800;
	s17 =	simm.s32 $0x0;
	s3 =	sand.u32 $0x1, s0  }
0x6: {  	s0 =	stileid.u32;
	[smem:$0x7FF] =	sst s2;
	s1 =	sshll.u32 s3, $0x4  }
0x7: {  	s8 =	ssub.s32 $0x2, s3;
	s3 =	sadd.s32 $0x19400, s4;
	s6 =	sor.u32 s0, s1  }
0x8: {  	s1 =	rddreg [dreg:$0x2];
	s31 =	sshrl.u32 s8, $0x1;
	s7 =	smul.u32 $0xC80, s6  }
0x9: {  	_ =	strace $0x80000047;
	s6 =	sshll.u32 s6, $0xB;
	s8 =	ssub.s32 s8, s31  }
0xa: {  	s5 =	sadd.s32 s5, s6;
	s6 =	smax.u32 s8, $0x1;
	s7 =	sadd.s32 s7, s4  }
0xb: {  	s8 =	simm.s32 $0x80;
	s4 =	sadd.s32 $0x400, s7;
	s7 =	simm.s32 $0x3  }
.LBB2_1:
0xc: {  	[tilespmem:s2], [sflag:$0x3] =	stream.linear.gather [hbm4b:s4+s2], $0x6400, $0x38;
	[tilespmem:$0x10800] =	vst v63  }
0xd: {  	_ =	swait.ge [sflag:s7], $0x6400  }
0xe: {  	[sflag:s7] =	ssyncset.done $0x0  }
0xf: {  	s19 =	simm.s32 $0x0;
	[sflag:s7] =	ssyncadd.s32 $0xFFFF9C00  }
0x10: {  	v0 =	vld [tilespmem:s19+$0x30];
	_ =	sdelay $0x4  }
0x11: {  	v1 =	vld [tilespmem:s19+$0x0];
	v2 =	vshll.u32 v0, $0x1  }
0x12: {  	v3 =	vand.u32 $0xFFFF8000, v0;
	v0 =	vshrl.u32 v0, $0xE;
	v2 =	vand.u32 $0x7FFE, v2  }
0x13: {  	v0 =	vand.u32 $0x1, v0;
	v2 =	vor.u32 v3, v2  }
0x14: {  	v3 =	vld [tilespmem:s19+$0x10];
	v0 =	vor.u32 v0, v2  }
0x15: {  	s18 =	simm.s32 $0x40;
	[tilespmem:s19+$0x30] =	vst v0  }
0x16: {  	v2 =	vshll.u32 v1, $0x1;
	v0 =	vld [tilespmem:s18+$0x30]  }
0x17: {  	v4 =	vshrl.u32 v1, $0xE;
	v1 =	vand.u32 $0xFFFF8000, v1;
	v2 =	vand.u32 $0x7FFE, v2  }
0x18: {  	v1 =	vor.u32 v1, v2;
	v2 =	vand.u32 $0x1, v4  }
0x19: {  	v1 =	vor.u32 v2, v1;
	v2 =	vld [tilespmem:s19+$0x20];
	v4 =	vshll.u32 v3, $0x1;
	v5 =	vshrl.u32 v3, $0xE  }
0x1a: {  	v3 =	vand.u32 $0xFFFF8000, v3;
	[tilespmem:s19+$0x0] =	vst v1;
	v4 =	vand.u32 $0x7FFE, v4;
	v5 =	vand.u32 $0x1, v5  }
0x1b: {  	v1 =	vld [tilespmem:s18+$0x0];
	v3 =	vor.u32 v3, v4;
	v6 =	vand.u32 $0xFFFF8000, v0;
	v7 =	vshll.u32 v0, $0x1  }
0x1c: {  	v0 =	vshrl.u32 v0, $0xE;
	v3 =	vor.u32 v5, v3;
	v4 =	vand.u32 $0x7FFE, v7  }
0x1d: {  	v5 =	vand.u32 $0x1, v0;
	[tilespmem:s19+$0x10] =	vst v3;
	v4 =	vor.u32 v6, v4  }
0x1e: {  	s20 =	simm.s32 $0x200;
	v0 =	vld [tilespmem:s18+$0x10];
	v3 =	vor.u32 v5, v4;
	v4 =	vshll.u32 v2, $0x1;
	v5 =	vshrl.u32 v2, $0xE  }
.LBB2_2:
0x1f: {  	s21 =	sshra.s32 s20, $0x2;
	p0 =	sne.s32 s20, $0x18F00;
	s20 =	sadd.s32 $0x100, s20;
	[tilespmem:s18+$0x30] =	vst v3;
	v2 =	vand.u32 $0xFFFF8000, v2;
	v3 =	vand.u32 $0x7FFE, v4;
	v4 =	vand.u32 $0x1, v5  }
0x20: {  	v5 =	vld [tilespmem:s21+$0x30];
	v6 =	vshll.u32 v1, $0x1;
	v7 =	vshrl.u32 v1, $0xE;
	v2 =	vor.u32 v2, v3  }
0x21: {  	v1 =	vand.u32 $0xFFFF8000, v1;
	v3 =	vand.u32 $0x7FFE, v6;
	v2 =	vor.u32 v4, v2  }
0x22: {  	v1 =	vor.u32 v1, v3;
	v3 =	vand.u32 $0x1, v7;
	[tilespmem:s19+$0x20] =	vst v2;
	s19 =	smov.u32 s18;
	s18 =	smov.u32 s21  }
0x23: {  	v1 =	vor.u32 v3, v1;
	v3 =	vshll.u32 v0, $0x1;
	v4 =	vshrl.u32 v0, $0xE;
	v2 =	vld [tilespmem:s19+$0x20]  }
.Ltmp0:
0x24: {  	v0 =	vand.u32 $0xFFFF8000, v0;
	[tilespmem:s19+$0x0] =	vst v1;
	v3 =	vand.u32 $0x7FFE, v3;
	v4 =	vand.u32 $0x1, v4;
	(pc) =	sbr.rel @p0 .LBB2_2-.Ltmp0, $4  }
0x25: {  	v1 =	vld [tilespmem:s18+$0x0];
	v6 =	vand.u32 $0xFFFF8000, v5;
	v7 =	vshll.u32 v5, $0x1;
	v0 =	vor.u32 v0, v3  }
0x26: {  	v5 =	vshrl.u32 v5, $0xE;
	v3 =	vand.u32 $0x7FFE, v7;
	v0 =	vor.u32 v4, v0  }
0x27: {  	v4 =	vand.u32 $0x1, v5;
	v3 =	vor.u32 v6, v3;
	[tilespmem:s19+$0x10] =	vst v0  }
0x28: {  	v0 =	vld [tilespmem:s18+$0x10];
	v3 =	vor.u32 v4, v3;
	v4 =	vshll.u32 v2, $0x1;
	v5 =	vshrl.u32 v2, $0xE  }
0x29: {  	v2 =	vand.u32 $0xFFFF8000, v2;
	v4 =	vand.u32 $0x7FFE, v4  }
0x2a: {  	v5 =	vand.u32 $0x1, v5;
	v2 =	vor.u32 v2, v4  }
0x2b: {  	[tilespmem:s18+$0x30] =	vst v3;
	v2 =	vor.u32 v5, v2  }
0x2c: {  	[tilespmem:s19+$0x20] =	vst v2  }
0x2d: {  	v53 =	vld [tilespmem:s18+$0x20]  }
0x2e: {  	v52 =	vshll.u32 v1, $0x1;
	v54 =	vshrl.u32 v1, $0xE  }
0x2f: {  	v55 =	vand.u32 $0xFFFF8000, v1;
	v56 =	vand.u32 $0x1, v54;
	v2 =	vand.u32 $0x7FFE, v52  }
0x30: {  	v1 =	vor.u32 v55, v2;
	v57 =	vshll.u32 v0, $0x1;
	v58 =	vshrl.u32 v0, $0xE  }
0x31: {  	v59 =	vand.u32 $0xFFFF8000, v0;
	v1 =	vor.u32 v56, v1;
	v2 =	vand.u32 $0x7FFE, v57  }
0x32: {  	v4 =	vand.u32 $0x1, v58;
	v0 =	vor.u32 v59, v2;
	v60 =	vshll.u32 v53, $0x1  }
0x33: {  	v61 =	vshrl.u32 v53, $0xE;
	v3 =	vand.u32 $0xFFFF8000, v53;
	v2 =	vand.u32 $0x7FFE, v60  }
0x34: {  	[tilespmem:s18+$0x0] =	vst v1;
	v0 =	vor.u32 v4, v0;
	v62 =	vand.u32 $0x1, v61;
	v2 =	vor.u32 v3, v2  }
0x35: {  	[tilespmem:s18+$0x10] =	vst v0;
	v63 =	vor.u32 v62, v2  }
0x36: {  	[tilespmem:s18+$0x20] =	vst v63;
	s18 =	simm.s32 $0x0  }
0x37: {  	[tilespmem:s9], [sflag:$0x1] =	stream.indirect.gather [hbm4b:s3+s8], $0x40, s18, s8, $0xb8;
	[tilespmem:$0x10800] =	vst v63  }
0x38: {  	_ = 	snop  }
0x39: {  	[tilespmem:s11], [sflag:$0x1] =	stream.indirect.gather [hbm4b:s3+s10], $0x40, s8, s10, $0xb8;
	[tilespmem:$0x10800] =	vst v63  }
.LBB2_4:
0x3a: {  	s19 =	sshllo.u32 s18, $0x1  }
0x3b: {  	s20 =	smul.u32 $0x320, s19;
	_ =	sdelay $0x1  }
0x3c: {  	s20 =	sshra.s32 s20, $0x2  }
0x3d: {  	[tilespmem:s12], [sflag:$0x2] =	stream.indirect.gather [hbm4b:s3+s8], $0x40, s20, s8, $0xb8;
	[tilespmem:$0x10800] =	vst v63  }
0x3e: {  	s20 =	sadd.s32 $0x80, s20  }
0x3f: {  	[tilespmem:s13], [sflag:$0x2] =	stream.indirect.gather [hbm4b:s3+s10], $0x40, s20, s10, $0xb8;
	[tilespmem:$0x10800] =	vst v63  }
0x40: {  	_ =	swait.ge [sflag:s14], $0x2000  }
0x41: {  	[sflag:s14] =	ssyncset.done $0x0  }
0x42: {  	[sflag:s14] =	ssyncadd.s32 $0xFFFFE000  }
0x43: {  	_ =	swait.ge [sflag:s14], $0x1200  }
0x44: {  	[sflag:s14] =	ssyncset.done $0x0  }
0x45: {  	s20 =	simm.s32 $0x0;
	[sflag:s14] =	ssyncadd.s32 $0xFFFFEE00  }
0x46: {  	v0 =	vld [tilespmem:s20+$0x65C0]  }
0x47: {  	v1 =	vld [tilespmem:s20+$0x65D0]  }
0x48: {  	v2 =	vld [tilespmem:s20+$0x65E0]  }
0x49: {  	v3 =	vld [tilespmem:s20+$0x6580]  }
0x4a: {  	v4 =	vld [tilespmem:s20+$0x6590]  }
0x4b: {  	v5 =	vld [tilespmem:s20+$0x65A0]  }
0x4c: {  	v7 =	vld [tilespmem:s20+$0x6540]  }
0x4d: {  	v8 =	vld [tilespmem:s20+$0x6550]  }
0x4e: {  	v17 =	vld [tilespmem:s20+$0x6560]  }
0x4f: {  	v18 =	vld [tilespmem:s20+$0x6500]  }
0x50: {  	v6 =	vimm.f32 $0.0e+00;
	v19 =	vld [tilespmem:s20+$0x6510]  }
0x51: {  	v22 =	vld [tilespmem:s20+$0x6520];
	v10 =	vshll.u32 v0, $0x10;
	v11 =	vand.u32 $0xFFFF0000, v0;
	v9 =	vshll.u32 v1, $0x10  }
0x52: {  	v23 =	vld [tilespmem:s20+$0x64C0];
	v12 =	vand.u32 $0xFFFF0000, v1;
	v1 =	vshll.u32 v2, $0x10;
	v0 =	vand.u32 $0xFFFF0000, v2  }
0x53: {  	v24 =	vld [tilespmem:s20+$0x6480];
	v14 =	vshll.u32 v3, $0x10;
	v15 =	vand.u32 $0xFFFF0000, v3;
	v13 =	vshll.u32 v4, $0x10  }
0x54: {  	v25 =	vld [tilespmem:s20+$0x6440];
	v16 =	vand.u32 $0xFFFF0000, v4;
	v2 =	vshll.u32 v5, $0x10;
	v3 =	vand.u32 $0xFFFF0000, v5  }
0x55: {  	v26 =	vld [tilespmem:s20+$0x6400];
	v30 =	vshll.u32 v7, $0x10;
	v32 =	vand.u32 $0xFFFF0000, v7;
	v20 =	vshll.u32 v8, $0x10  }
0x56: {  	v27 =	vld [tilespmem:s20+$0x6410];
	v21 =	vand.u32 $0xFFFF0000, v8;
	v4 =	vshll.u32 v17, $0x10;
	v5 =	vand.u32 $0xFFFF0000, v17  }
0x57: {  	v17 =	vshll.u32 v18, $0x10;
	v18 =	vand.u32 $0xFFFF0000, v18;
	v29 =	vshll.u32 v19, $0x10  }
0x58: {  	v28 =	vld [tilespmem:s20+$0x6450];
	v7 =	vshll.u32 v22, $0x10;
	v8 =	vand.u32 $0xFFFF0000, v22;
	v22 =	vshll.u32 v24, $0x10  }
0x59: {  	v31 =	vshll.u32 v23, $0x10;
	v23 =	vand.u32 $0xFFFF0000, v23;
	v33 =	vshll.u32 v25, $0x10  }
0x5a: {  	v34 =	vld [tilespmem:s20+$0x6490];
	v25 =	vand.u32 $0xFFFF0000, v25;
	v35 =	vshll.u32 v26, $0x10;
	v26 =	vand.u32 $0xFFFF0000, v26  }
0x5b: {  	v24 =	vand.u32 $0xFFFF0000, v24;
	v36 =	vshll.u32 v27, $0x10;
	v26 =	vadd.f32 v26, v6  }
0x5c: {  	v37 =	vld [tilespmem:s20+$0x64D0];
	v27 =	vand.u32 $0xFFFF0000, v27;
	v35 =	vadd.f32 v35, v6;
	v36 =	vadd.f32 v36, v6  }
0x5d: {  	v38 =	vshll.u32 v28, $0x10;
	v27 =	vadd.f32 v27, v6;
	v25 =	vadd.f32 v25, v26  }
0x5e: {  	v33 =	vadd.f32 v33, v35;
	v26 =	vand.u32 $0xFFFF0000, v28;
	v62 =	vadd.f32 v38, v36  }
0x5f: {  	v28 =	vld [tilespmem:s20+$0x64E0];
	v26 =	vadd.f32 v26, v27;
	v27 =	vshll.u32 v34, $0x10;
	v24 =	vadd.f32 v24, v25  }
0x60: {  	v63 =	vld [tilespmem:s20+$0x64A0];
	v22 =	vadd.f32 v22, v33;
	v25 =	vand.u32 $0xFFFF0000, v34;
	v27 =	vadd.f32 v27, v62  }
0x61: {  	v25 =	vadd.f32 v25, v26;
	v26 =	vshll.u32 v37, $0x10;
	v23 =	vadd.f32 v23, v24  }
0x62: {  	v22 =	vadd.f32 v31, v22;
	v24 =	vand.u32 $0xFFFF0000, v37;
	v31 =	vadd.f32 v26, v27  }
0x63: {  	v19 =	vand.u32 $0xFFFF0000, v19;
	v25 =	vadd.f32 v24, v25;
	v18 =	vadd.f32 v18, v23;
	v23 =	vld [tilespmem:s20+$0x6460]  }
0x64: {  	v26 =	vshll.u32 v28, $0x10;
	v27 =	vand.u32 $0xFFFF0000, v28;
	v17 =	vadd.f32 v17, v22  }
0x65: {  	v28 =	vshll.u32 v63, $0x10;
	v24 =	vadd.f32 v29, v31;
	v22 =	vld [tilespmem:s20+$0x6420];
	v29 =	vand.u32 $0xFFFF0000, v63  }
0x66: {  	v25 =	vadd.f32 v19, v25;
	v19 =	vimm.f32 $0.0e+00;
	v31 =	vadd.f32 v30, v17  }
0x67: {  	s21 =	simm.s32 $0x800;
	v32 =	vadd.f32 v32, v18;
	v30 =	vld [tilespmem:s20+$0x6430];
	v17 =	vimm.f32 $0.0e+00;
	v18 =	vimm.f32 $0.0e+00  }
.LBB2_5:
0x68: {  	p0 =	sne.s32 s21, $0xC000;
	v33 =	vshll.u32 v23, $0x10;
	v20 =	vadd.f32 v20, v24;
	v21 =	vadd.f32 v21, v25  }
0x69: {  	v34 =	vand.u32 $0xFFFF0000, v23;
	v35 =	vld [tilespmem:s20+$0x6470];
	v14 =	vadd.f32 v14, v31;
	v15 =	vadd.f32 v15, v32  }
0x6a: {  	v31 =	vshll.u32 v22, $0x10;
	v13 =	vadd.f32 v13, v20;
	v16 =	vadd.f32 v16, v21  }
0x6b: {  	v20 =	vand.u32 $0xFFFF0000, v22;
	v21 =	vld [tilespmem:s20+$0x64B0];
	v24 =	vadd.f32 v10, v14;
	v25 =	vadd.f32 v11, v15  }
0x6c: {  	v10 =	vshll.u32 v30, $0x10;
	v22 =	vadd.f32 v9, v13;
	v23 =	vadd.f32 v12, v16  }
0x6d: {  	s22 =	sshra.s32 s21, $0x2;
	v6 =	vadd.f32 v31, v6;
	v9 =	vadd.f32 v20, v19;
	v11 =	vand.u32 $0xFFFF0000, v30;
	v12 =	vld [tilespmem:s20+$0x64F0]  }
0x6e: {  	v10 =	vadd.f32 v10, v17;
	v11 =	vadd.f32 v11, v18;
	v13 =	vld [tilespmem:s22+$0x65C0];
	v14 =	vshll.u32 v35, $0x10  }
0x6f: {  	v6 =	vadd.f32 v33, v6;
	v9 =	vadd.f32 v34, v9;
	v15 =	vand.u32 $0xFFFF0000, v35;
	v16 =	vld [tilespmem:s20+$0x6530]  }
0x70: {  	v10 =	vadd.f32 v14, v10;
	v11 =	vadd.f32 v15, v11;
	v20 =	vld [tilespmem:s22+$0x65D0];
	v14 =	vshll.u32 v21, $0x10  }
0x71: {  	v6 =	vadd.f32 v28, v6;
	v9 =	vadd.f32 v29, v9;
	v15 =	vand.u32 $0xFFFF0000, v21;
	v17 =	vld [tilespmem:s20+$0x6570]  }
0x72: {  	v10 =	vadd.f32 v14, v10;
	v11 =	vadd.f32 v15, v11;
	v21 =	vld [tilespmem:s22+$0x65E0];
	v14 =	vshll.u32 v12, $0x10  }
0x73: {  	v6 =	vadd.f32 v26, v6;
	v9 =	vadd.f32 v27, v9;
	v12 =	vand.u32 $0xFFFF0000, v12;
	v15 =	vld [tilespmem:s20+$0x65B0]  }
0x74: {  	v10 =	vadd.f32 v14, v10;
	v11 =	vadd.f32 v12, v11;
	v12 =	vshll.u32 v16, $0x10;
	v14 =	vld [tilespmem:s20+$0x65F0];
	s20 =	smov.u32 s22  }
0x75: {  	v6 =	vadd.f32 v7, v6;
	v7 =	vadd.f32 v8, v9;
	v8 =	vand.u32 $0xFFFF0000, v16;
	v26 =	vld [tilespmem:s20+$0x6580]  }
0x76: {  	v9 =	vadd.f32 v12, v10;
	v8 =	vadd.f32 v8, v11;
	v16 =	vld [tilespmem:s20+$0x6590];
	v10 =	vshll.u32 v17, $0x10  }
0x77: {  	v4 =	vadd.f32 v4, v6;
	v5 =	vadd.f32 v5, v7;
	v6 =	vand.u32 $0xFFFF0000, v17;
	v27 =	vld [tilespmem:s20+$0x65A0]  }
0x78: {  	v9 =	vadd.f32 v10, v9;
	v6 =	vadd.f32 v6, v8;
	v7 =	vld [tilespmem:s20+$0x6540];
	v8 =	vshll.u32 v15, $0x10  }
0x79: {  	v2 =	vadd.f32 v2, v4;
	v3 =	vadd.f32 v3, v5;
	v4 =	vand.u32 $0xFFFF0000, v15;
	v28 =	vld [tilespmem:s20+$0x6550]  }
0x7a: {  	v8 =	vadd.f32 v8, v9;
	v4 =	vadd.f32 v4, v6;
	v9 =	vshll.u32 v14, $0x10;
	v5 =	vld [tilespmem:s20+$0x6560]  }
0x7b: {  	v6 =	vadd.f32 v1, v2;
	v19 =	vadd.f32 v0, v3;
	v0 =	vand.u32 $0xFFFF0000, v14;
	v29 =	vld [tilespmem:s20+$0x6500]  }
0x7c: {  	v17 =	vadd.f32 v9, v8;
	v18 =	vadd.f32 v0, v4;
	v30 =	vld [tilespmem:s20+$0x6510]  }
0x7d: {  	v11 =	vand.u32 $0xFFFF0000, v13;
	v10 =	vshll.u32 v13, $0x10;
	v9 =	vshll.u32 v20, $0x10;
	v8 =	vld [tilespmem:s20+$0x6520]  }
0x7e: {  	v12 =	vand.u32 $0xFFFF0000, v20;
	v1 =	vshll.u32 v21, $0x10;
	v0 =	vand.u32 $0xFFFF0000, v21;
	v31 =	vld [tilespmem:s20+$0x64C0]  }
0x7f: {  	v14 =	vshll.u32 v26, $0x10;
	v15 =	vand.u32 $0xFFFF0000, v26;
	v13 =	vshll.u32 v16, $0x10;
	v32 =	vld [tilespmem:s20+$0x6480]  }
0x80: {  	v16 =	vand.u32 $0xFFFF0000, v16;
	v2 =	vshll.u32 v27, $0x10;
	v3 =	vand.u32 $0xFFFF0000, v27;
	v26 =	vld [tilespmem:s20+$0x6440]  }
0x81: {  	v33 =	vshll.u32 v7, $0x10;
	v34 =	vand.u32 $0xFFFF0000, v7;
	v20 =	vshll.u32 v28, $0x10;
	v27 =	vld [tilespmem:s20+$0x6400]  }
0x82: {  	v21 =	vand.u32 $0xFFFF0000, v28;
	v4 =	vshll.u32 v5, $0x10;
	v5 =	vand.u32 $0xFFFF0000, v5;
	v35 =	vld [tilespmem:s20+$0x6410]  }
0x83: {  	v28 =	vshll.u32 v29, $0x10;
	v29 =	vand.u32 $0xFFFF0000, v29;
	v36 =	vshll.u32 v30, $0x10  }
0x84: {  	v30 =	vand.u32 $0xFFFF0000, v30;
	v7 =	vshll.u32 v8, $0x10;
	v8 =	vand.u32 $0xFFFF0000, v8;
	v37 =	vld [tilespmem:s20+$0x6450]  }
0x85: {  	v39 =	vshll.u32 v31, $0x10;
	v31 =	vand.u32 $0xFFFF0000, v31;
	v38 =	vshll.u32 v32, $0x10  }
0x86: {  	v32 =	vand.u32 $0xFFFF0000, v32;
	v40 =	vshll.u32 v26, $0x10;
	v26 =	vand.u32 $0xFFFF0000, v26;
	v41 =	vld [tilespmem:s20+$0x6490]  }
0x87: {  	v42 =	vshll.u32 v27, $0x10;
	v27 =	vand.u32 $0xFFFF0000, v27;
	v43 =	vshll.u32 v35, $0x10  }
0x88: {  	v24 =	vadd.f32 v42, v24;
	v25 =	vadd.f32 v27, v25;
	v27 =	vand.u32 $0xFFFF0000, v35;
	v35 =	vld [tilespmem:s20+$0x64D0]  }
0x89: {  	v22 =	vadd.f32 v43, v22;
	v23 =	vadd.f32 v27, v23;
	v27 =	vshll.u32 v37, $0x10  }
0x8a: {  	v24 =	vadd.f32 v40, v24;
	v25 =	vadd.f32 v26, v25;
	v26 =	vand.u32 $0xFFFF0000, v37;
	v37 =	vld [tilespmem:s20+$0x64E0]  }
0x8b: {  	v22 =	vadd.f32 v27, v22;
	v23 =	vadd.f32 v26, v23;
	v26 =	vshll.u32 v41, $0x10  }
0x8c: {  	v24 =	vadd.f32 v38, v24;
	v25 =	vadd.f32 v32, v25;
	v27 =	vand.u32 $0xFFFF0000, v41;
	v32 =	vld [tilespmem:s20+$0x64A0]  }
0x8d: {  	v22 =	vadd.f32 v26, v22;
	v26 =	vadd.f32 v27, v23;
	v27 =	vshll.u32 v35, $0x10  }
.Ltmp1:
0x8e: {  	v24 =	vadd.f32 v39, v24;
	v25 =	vadd.f32 v31, v25;
	v31 =	vand.u32 $0xFFFF0000, v35;
	v23 =	vld [tilespmem:s20+$0x6460];
	(pc) =	sbr.rel @p0 .LBB2_5-.Ltmp1, $4  }
0x8f: {  	v35 =	vadd.f32 v27, v22;
	v31 =	vadd.f32 v31, v26;
	v26 =	vshll.u32 v37, $0x10  }
0x90: {  	v27 =	vand.u32 $0xFFFF0000, v37;
	v37 =	vadd.f32 v28, v24;
	v38 =	vadd.f32 v29, v25;
	v22 =	vld [tilespmem:s20+$0x6420]  }
0x91: {  	v24 =	vadd.f32 v36, v35;
	v25 =	vadd.f32 v30, v31;
	v28 =	vshll.u32 v32, $0x10  }
0x92: {  	s21 =	sadd.s32 $0x800, s21;
	v29 =	vand.u32 $0xFFFF0000, v32;
	v31 =	vadd.f32 v33, v37;
	v32 =	vadd.f32 v34, v38;
	v30 =	vld [tilespmem:s20+$0x6430]  }
0x93: {  	v33 =	vshll.u32 v23, $0x10;
	v20 =	vadd.f32 v20, v24;
	v21 =	vadd.f32 v21, v25  }
0x94: {  	v23 =	vand.u32 $0xFFFF0000, v23;
	v24 =	vld [tilespmem:s20+$0x6470];
	v14 =	vadd.f32 v14, v31;
	v15 =	vadd.f32 v15, v32  }
0x95: {  	v25 =	vshll.u32 v22, $0x10;
	v13 =	vadd.f32 v13, v20;
	v16 =	vadd.f32 v16, v21  }
0x96: {  	v20 =	vand.u32 $0xFFFF0000, v22;
	v21 =	vld [tilespmem:s20+$0x64B0];
	v10 =	vadd.f32 v10, v14;
	v11 =	vadd.f32 v11, v15  }
0x97: {  	v6 =	vadd.f32 v25, v6;
	v14 =	vshll.u32 v30, $0x10;
	v9 =	vadd.f32 v9, v13  }
0x98: {  	v12 =	vadd.f32 v12, v16;
	v13 =	vadd.f32 v20, v19;
	v15 =	vand.u32 $0xFFFF0000, v30;
	v16 =	vld [tilespmem:s20+$0x64F0]  }
0x99: {  	v14 =	vadd.f32 v14, v17;
	v15 =	vadd.f32 v15, v18;
	v17 =	vshll.u32 v24, $0x10  }
0x9a: {  	v19 =	vld [tilespmem:s20+$0x6530];
	v6 =	vadd.f32 v33, v6;
	v18 =	vand.u32 $0xFFFF0000, v24;
	v13 =	vadd.f32 v23, v13  }
0x9b: {  	v14 =	vadd.f32 v17, v14;
	v15 =	vadd.f32 v18, v15;
	v17 =	vshll.u32 v21, $0x10  }
0x9c: {  	v20 =	vld [tilespmem:s20+$0x6570];
	v6 =	vadd.f32 v28, v6;
	v18 =	vand.u32 $0xFFFF0000, v21;
	v13 =	vadd.f32 v29, v13  }
0x9d: {  	v14 =	vadd.f32 v17, v14;
	v15 =	vadd.f32 v18, v15;
	v17 =	vshll.u32 v16, $0x10  }
0x9e: {  	v6 =	vadd.f32 v26, v6;
	v16 =	vand.u32 $0xFFFF0000, v16;
	v18 =	vld [tilespmem:s20+$0x65B0];
	v13 =	vadd.f32 v27, v13  }
0x9f: {  	v14 =	vadd.f32 v17, v14;
	v15 =	vadd.f32 v16, v15;
	v16 =	vshll.u32 v19, $0x10  }
0xa0: {  	v6 =	vadd.f32 v7, v6;
	v7 =	vadd.f32 v8, v13;
	v8 =	vand.u32 $0xFFFF0000, v19  }
0xa1: {  	v13 =	vadd.f32 v16, v14;
	v8 =	vadd.f32 v8, v15;
	v14 =	vshll.u32 v20, $0x10  }
0xa2: {  	v15 =	vld [tilespmem:s20+$0x65F0];
	v4 =	vadd.f32 v4, v6;
	v6 =	vand.u32 $0xFFFF0000, v20;
	v5 =	vadd.f32 v5, v7  }
0xa3: {  	v7 =	vadd.f32 v14, v13;
	v6 =	vadd.f32 v6, v8;
	v8 =	vshll.u32 v18, $0x10  }
0xa4: {  	s31 =	sshll.u32 s18, $0x8;
	v2 =	vadd.f32 v2, v4;
	v4 =	vmul.f32 $4.999999890e-03, v10;
	v3 =	vadd.f32 v3, v5  }
0xa5: {  	s20 =	sand.u32 $0x3FFFFF00, s31;
	v5 =	vand.u32 $0xFFFF0000, v18;
	v7 =	vadd.f32 v8, v7;
	v8 =	vmul.f32 $4.999999890e-03, v11  }
0xa6: {  	v5 =	vadd.f32 v5, v6;
	v1 =	vadd.f32 v1, v2;
	[tilespmem:s20+$0xC800] =	vst v4;
	v2 =	vmul.f32 $4.999999890e-03, v9  }
0xa7: {  	v4 =	vshll.u32 v15, $0x10;
	v0 =	vadd.f32 v0, v3;
	v3 =	vmul.f32 $4.999999890e-03, v12;
	[tilespmem:s20+$0xC840] =	vst v8  }
0xa8: {  	v6 =	vand.u32 $0xFFFF0000, v15;
	v4 =	vadd.f32 v4, v7;
	[tilespmem:s20+$0xC810] =	vst v2;
	v1 =	vmul.f32 $4.999999890e-03, v1  }
0xa9: {  	p0 =	seq.s32 s18, $0x3F;
	v2 =	vadd.f32 v6, v5;
	[tilespmem:s20+$0xC850] =	vst v3;
	v0 =	vmul.f32 $4.999999890e-03, v0  }
0xaa: {  	s21 =	smul.u32 @!p0 $0x640, s18;
	[tilespmem:s20+$0xC820] =	vst v1;
	v1 =	vmul.f32 $4.999999890e-03, v4  }
0xab: {  	[tilespmem:s20+$0xC860] =	vst v0;
	v0 =	vmul.f32 $4.999999890e-03, v2  }
0xac: {  	s21 =	sshra.s32 @!p0 s21, $0x2;
	[tilespmem:s20+$0xC830] =	vst v1  }
0xad: {  	s22 =	simm.s32 @!p0 $0x80;
	s23 =	simm.s32 @!p0 $0x6400;
	[tilespmem:s20+$0xC870] =	vst v0;
	s20 =	sadd.s32 @!p0 $0x190, s21  }
0xae: {  	[tilespmem:s23], [sflag:$0x1] =	stream.indirect.gather @!p0 [hbm4b:s3+s22], $0x40, s20, s22, $0xb8;
	[tilespmem:$0x10800] =	vst v63  }
0xaf: {  	s20 =	sadd.s32 @!p0 $0x210, s21;
	s21 =	simm.s32 @!p0 $0x48;
	s22 =	simm.s32 @!p0 $0x8400  }
0xb0: {  	[tilespmem:s22], [sflag:$0x1] =	stream.indirect.gather @!p0 [hbm4b:s3+s21], $0x40, s20, s21, $0xb8;
	[tilespmem:$0x10800] =	vst v63  }
0xb1: {  	_ =	swait.ge [sflag:s15], $0x2000  }
0xb2: {  	[sflag:s15] =	ssyncset.done $0x0  }
0xb3: {  	[sflag:s15] =	ssyncadd.s32 $0xFFFFE000  }
0xb4: {  	_ =	swait.ge [sflag:s15], $0x1200  }
0xb5: {  	[sflag:s15] =	ssyncset.done $0x0  }
0xb6: {  	s20 =	simm.s32 $0x0;
	[sflag:s15] =	ssyncadd.s32 $0xFFFFEE00  }
0xb7: {  	v0 =	vld [tilespmem:s20+$0x97C0]  }
0xb8: {  	v1 =	vld [tilespmem:s20+$0x97D0]  }
0xb9: {  	v2 =	vld [tilespmem:s20+$0x97E0]  }
0xba: {  	v3 =	vld [tilespmem:s20+$0x9780]  }
0xbb: {  	v4 =	vld [tilespmem:s20+$0x9790]  }
0xbc: {  	v5 =	vld [tilespmem:s20+$0x97A0]  }
0xbd: {  	v7 =	vld [tilespmem:s20+$0x9740]  }
0xbe: {  	v8 =	vld [tilespmem:s20+$0x9750]  }
0xbf: {  	v17 =	vld [tilespmem:s20+$0x9760]  }
0xc0: {  	v18 =	vld [tilespmem:s20+$0x9700]  }
0xc1: {  	v6 =	vimm.f32 $0.0e+00;
	v19 =	vld [tilespmem:s20+$0x9710]  }
0xc2: {  	v22 =	vld [tilespmem:s20+$0x9720];
	v10 =	vshll.u32 v0, $0x10;
	v11 =	vand.u32 $0xFFFF0000, v0;
	v9 =	vshll.u32 v1, $0x10  }
0xc3: {  	v23 =	vld [tilespmem:s20+$0x96C0];
	v12 =	vand.u32 $0xFFFF0000, v1;
	v1 =	vshll.u32 v2, $0x10;
	v0 =	vand.u32 $0xFFFF0000, v2  }
0xc4: {  	v24 =	vld [tilespmem:s20+$0x9680];
	v14 =	vshll.u32 v3, $0x10;
	v15 =	vand.u32 $0xFFFF0000, v3;
	v13 =	vshll.u32 v4, $0x10  }
0xc5: {  	v25 =	vld [tilespmem:s20+$0x9640];
	v16 =	vand.u32 $0xFFFF0000, v4;
	v2 =	vshll.u32 v5, $0x10;
	v3 =	vand.u32 $0xFFFF0000, v5  }
0xc6: {  	v26 =	vld [tilespmem:s20+$0x9600];
	v30 =	vshll.u32 v7, $0x10;
	v60 =	vand.u32 $0xFFFF0000, v7;
	v20 =	vshll.u32 v8, $0x10  }
0xc7: {  	v27 =	vld [tilespmem:s20+$0x9610];
	v21 =	vand.u32 $0xFFFF0000, v8;
	v4 =	vshll.u32 v17, $0x10;
	v5 =	vand.u32 $0xFFFF0000, v17  }
0xc8: {  	v17 =	vshll.u32 v18, $0x10;
	v18 =	vand.u32 $0xFFFF0000, v18;
	v29 =	vshll.u32 v19, $0x10  }
0xc9: {  	v28 =	vld [tilespmem:s20+$0x9650];
	v7 =	vshll.u32 v22, $0x10;
	v8 =	vand.u32 $0xFFFF0000, v22;
	v22 =	vshll.u32 v24, $0x10  }
0xca: {  	v31 =	vshll.u32 v23, $0x10;
	v23 =	vand.u32 $0xFFFF0000, v23;
	v61 =	vshll.u32 v25, $0x10  }
0xcb: {  	v34 =	vld [tilespmem:s20+$0x9690];
	v25 =	vand.u32 $0xFFFF0000, v25;
	v35 =	vshll.u32 v26, $0x10;
	v26 =	vand.u32 $0xFFFF0000, v26  }
0xcc: {  	v24 =	vand.u32 $0xFFFF0000, v24;
	v36 =	vshll.u32 v27, $0x10;
	v26 =	vadd.f32 v26, v6  }
0xcd: {  	v37 =	vld [tilespmem:s20+$0x96D0];
	v27 =	vand.u32 $0xFFFF0000, v27;
	v35 =	vadd.f32 v35, v6;
	v36 =	vadd.f32 v36, v6  }
0xce: {  	v38 =	vshll.u32 v28, $0x10;
	v27 =	vadd.f32 v27, v6;
	v25 =	vadd.f32 v25, v26  }
0xcf: {  	v33 =	vadd.f32 v61, v35;
	v26 =	vand.u32 $0xFFFF0000, v28;
	v62 =	vadd.f32 v38, v36  }
0xd0: {  	v28 =	vld [tilespmem:s20+$0x96E0];
	v26 =	vadd.f32 v26, v27;
	v27 =	vshll.u32 v34, $0x10;
	v24 =	vadd.f32 v24, v25  }
0xd1: {  	v63 =	vld [tilespmem:s20+$0x96A0];
	v22 =	vadd.f32 v22, v33;
	v25 =	vand.u32 $0xFFFF0000, v34;
	v27 =	vadd.f32 v27, v62  }
0xd2: {  	v25 =	vadd.f32 v25, v26;
	v26 =	vshll.u32 v37, $0x10;
	v23 =	vadd.f32 v23, v24  }
0xd3: {  	v22 =	vadd.f32 v31, v22;
	v24 =	vand.u32 $0xFFFF0000, v37;
	v31 =	vadd.f32 v26, v27  }
0xd4: {  	v19 =	vand.u32 $0xFFFF0000, v19;
	v25 =	vadd.f32 v24, v25;
	v18 =	vadd.f32 v18, v23;
	v23 =	vld [tilespmem:s20+$0x9660]  }
0xd5: {  	v26 =	vshll.u32 v28, $0x10;
	v27 =	vand.u32 $0xFFFF0000, v28;
	v17 =	vadd.f32 v17, v22  }
0xd6: {  	v28 =	vshll.u32 v63, $0x10;
	v24 =	vadd.f32 v29, v31;
	v22 =	vld [tilespmem:s20+$0x9620];
	v29 =	vand.u32 $0xFFFF0000, v63  }
0xd7: {  	v25 =	vadd.f32 v19, v25;
	v19 =	vimm.f32 $0.0e+00;
	v31 =	vadd.f32 v30, v17  }
0xd8: {  	s21 =	simm.s32 $0x800;
	v32 =	vadd.f32 v60, v18;
	v30 =	vld [tilespmem:s20+$0x9630];
	v17 =	vimm.f32 $0.0e+00;
	v18 =	vimm.f32 $0.0e+00  }
.LBB2_7:
0xd9: {  	p0 =	sne.s32 s21, $0xC000;
	v33 =	vshll.u32 v23, $0x10;
	v20 =	vadd.f32 v20, v24;
	v21 =	vadd.f32 v21, v25  }
0xda: {  	v34 =	vand.u32 $0xFFFF0000, v23;
	v35 =	vld [tilespmem:s20+$0x9670];
	v14 =	vadd.f32 v14, v31;
	v15 =	vadd.f32 v15, v32  }
0xdb: {  	v31 =	vshll.u32 v22, $0x10;
	v13 =	vadd.f32 v13, v20;
	v16 =	vadd.f32 v16, v21  }
0xdc: {  	v20 =	vand.u32 $0xFFFF0000, v22;
	v21 =	vld [tilespmem:s20+$0x96B0];
	v24 =	vadd.f32 v10, v14;
	v25 =	vadd.f32 v11, v15  }
0xdd: {  	v10 =	vshll.u32 v30, $0x10;
	v22 =	vadd.f32 v9, v13;
	v23 =	vadd.f32 v12, v16  }
0xde: {  	s22 =	sshra.s32 s21, $0x2;
	v6 =	vadd.f32 v31, v6;
	v9 =	vadd.f32 v20, v19;
	v11 =	vand.u32 $0xFFFF0000, v30;
	v12 =	vld [tilespmem:s20+$0x96F0]  }
0xdf: {  	v10 =	vadd.f32 v10, v17;
	v11 =	vadd.f32 v11, v18;
	v13 =	vld [tilespmem:s22+$0x97C0];
	v14 =	vshll.u32 v35, $0x10  }
0xe0: {  	v6 =	vadd.f32 v33, v6;
	v9 =	vadd.f32 v34, v9;
	v15 =	vand.u32 $0xFFFF0000, v35;
	v16 =	vld [tilespmem:s20+$0x9730]  }
0xe1: {  	v10 =	vadd.f32 v14, v10;
	v11 =	vadd.f32 v15, v11;
	v20 =	vld [tilespmem:s22+$0x97D0];
	v14 =	vshll.u32 v21, $0x10  }
0xe2: {  	v6 =	vadd.f32 v28, v6;
	v9 =	vadd.f32 v29, v9;
	v15 =	vand.u32 $0xFFFF0000, v21;
	v17 =	vld [tilespmem:s20+$0x9770]  }
0xe3: {  	v10 =	vadd.f32 v14, v10;
	v11 =	vadd.f32 v15, v11;
	v21 =	vld [tilespmem:s22+$0x97E0];
	v14 =	vshll.u32 v12, $0x10  }
0xe4: {  	v6 =	vadd.f32 v26, v6;
	v9 =	vadd.f32 v27, v9;
	v12 =	vand.u32 $0xFFFF0000, v12;
	v15 =	vld [tilespmem:s20+$0x97B0]  }
0xe5: {  	v10 =	vadd.f32 v14, v10;
	v11 =	vadd.f32 v12, v11;
	v12 =	vshll.u32 v16, $0x10;
	v14 =	vld [tilespmem:s20+$0x97F0];
	s20 =	smov.u32 s22  }
0xe6: {  	v6 =	vadd.f32 v7, v6;
	v7 =	vadd.f32 v8, v9;
	v8 =	vand.u32 $0xFFFF0000, v16;
	v26 =	vld [tilespmem:s20+$0x9780]  }
0xe7: {  	v9 =	vadd.f32 v12, v10;
	v8 =	vadd.f32 v8, v11;
	v16 =	vld [tilespmem:s20+$0x9790];
	v10 =	vshll.u32 v17, $0x10  }
0xe8: {  	v4 =	vadd.f32 v4, v6;
	v5 =	vadd.f32 v5, v7;
	v6 =	vand.u32 $0xFFFF0000, v17;
	v27 =	vld [tilespmem:s20+$0x97A0]  }
0xe9: {  	v9 =	vadd.f32 v10, v9;
	v6 =	vadd.f32 v6, v8;
	v7 =	vld [tilespmem:s20+$0x9740];
	v8 =	vshll.u32 v15, $0x10  }
0xea: {  	v2 =	vadd.f32 v2, v4;
	v3 =	vadd.f32 v3, v5;
	v4 =	vand.u32 $0xFFFF0000, v15;
	v28 =	vld [tilespmem:s20+$0x9750]  }
0xeb: {  	v8 =	vadd.f32 v8, v9;
	v4 =	vadd.f32 v4, v6;
	v9 =	vshll.u32 v14, $0x10;
	v5 =	vld [tilespmem:s20+$0x9760]  }
0xec: {  	v6 =	vadd.f32 v1, v2;
	v19 =	vadd.f32 v0, v3;
	v0 =	vand.u32 $0xFFFF0000, v14;
	v29 =	vld [tilespmem:s20+$0x9700]  }
0xed: {  	v17 =	vadd.f32 v9, v8;
	v18 =	vadd.f32 v0, v4;
	v30 =	vld [tilespmem:s20+$0x9710]  }
0xee: {  	v11 =	vand.u32 $0xFFFF0000, v13;
	v10 =	vshll.u32 v13, $0x10;
	v9 =	vshll.u32 v20, $0x10;
	v8 =	vld [tilespmem:s20+$0x9720]  }
0xef: {  	v12 =	vand.u32 $0xFFFF0000, v20;
	v1 =	vshll.u32 v21, $0x10;
	v0 =	vand.u32 $0xFFFF0000, v21;
	v31 =	vld [tilespmem:s20+$0x96C0]  }
0xf0: {  	v14 =	vshll.u32 v26, $0x10;
	v15 =	vand.u32 $0xFFFF0000, v26;
	v13 =	vshll.u32 v16, $0x10;
	v32 =	vld [tilespmem:s20+$0x9680]  }
0xf1: {  	v16 =	vand.u32 $0xFFFF0000, v16;
	v2 =	vshll.u32 v27, $0x10;
	v3 =	vand.u32 $0xFFFF0000, v27;
	v26 =	vld [tilespmem:s20+$0x9640]  }
0xf2: {  	v33 =	vshll.u32 v7, $0x10;
	v34 =	vand.u32 $0xFFFF0000, v7;
	v20 =	vshll.u32 v28, $0x10;
	v27 =	vld [tilespmem:s20+$0x9600]  }
0xf3: {  	v21 =	vand.u32 $0xFFFF0000, v28;
	v4 =	vshll.u32 v5, $0x10;
	v5 =	vand.u32 $0xFFFF0000, v5;
	v35 =	vld [tilespmem:s20+$0x9610]  }
0xf4: {  	v28 =	vshll.u32 v29, $0x10;
	v29 =	vand.u32 $0xFFFF0000, v29;
	v36 =	vshll.u32 v30, $0x10  }
0xf5: {  	v30 =	vand.u32 $0xFFFF0000, v30;
	v7 =	vshll.u32 v8, $0x10;
	v8 =	vand.u32 $0xFFFF0000, v8;
	v37 =	vld [tilespmem:s20+$0x9650]  }
0xf6: {  	v39 =	vshll.u32 v31, $0x10;
	v31 =	vand.u32 $0xFFFF0000, v31;
	v38 =	vshll.u32 v32, $0x10  }
0xf7: {  	v32 =	vand.u32 $0xFFFF0000, v32;
	v40 =	vshll.u32 v26, $0x10;
	v26 =	vand.u32 $0xFFFF0000, v26;
	v41 =	vld [tilespmem:s20+$0x9690]  }
0xf8: {  	v42 =	vshll.u32 v27, $0x10;
	v27 =	vand.u32 $0xFFFF0000, v27;
	v43 =	vshll.u32 v35, $0x10  }
0xf9: {  	v24 =	vadd.f32 v42, v24;
	v25 =	vadd.f32 v27, v25;
	v27 =	vand.u32 $0xFFFF0000, v35;
	v35 =	vld [tilespmem:s20+$0x96D0]  }
0xfa: {  	v22 =	vadd.f32 v43, v22;
	v23 =	vadd.f32 v27, v23;
	v27 =	vshll.u32 v37, $0x10  }
0xfb: {  	v24 =	vadd.f32 v40, v24;
	v25 =	vadd.f32 v26, v25;
	v26 =	vand.u32 $0xFFFF0000, v37;
	v37 =	vld [tilespmem:s20+$0x96E0]  }
0xfc: {  	v22 =	vadd.f32 v27, v22;
	v23 =	vadd.f32 v26, v23;
	v26 =	vshll.u32 v41, $0x10  }
0xfd: {  	v24 =	vadd.f32 v38, v24;
	v25 =	vadd.f32 v32, v25;
	v27 =	vand.u32 $0xFFFF0000, v41;
	v32 =	vld [tilespmem:s20+$0x96A0]  }
0xfe: {  	v22 =	vadd.f32 v26, v22;
	v26 =	vadd.f32 v27, v23;
	v27 =	vshll.u32 v35, $0x10  }
.Ltmp2:
0xff: {  	v24 =	vadd.f32 v39, v24;
	v25 =	vadd.f32 v31, v25;
	v31 =	vand.u32 $0xFFFF0000, v35;
	v23 =	vld [tilespmem:s20+$0x9660];
	(pc) =	sbr.rel @p0 .LBB2_7-.Ltmp2, $4  }
0x100: {  	v35 =	vadd.f32 v27, v22;
	v31 =	vadd.f32 v31, v26;
	v26 =	vshll.u32 v37, $0x10  }
0x101: {  	v27 =	vand.u32 $0xFFFF0000, v37;
	v37 =	vadd.f32 v28, v24;
	v38 =	vadd.f32 v29, v25;
	v22 =	vld [tilespmem:s20+$0x9620]  }
0x102: {  	v24 =	vadd.f32 v36, v35;
	v25 =	vadd.f32 v30, v31;
	v28 =	vshll.u32 v32, $0x10  }
0x103: {  	s21 =	sadd.s32 $0x800, s21;
	v29 =	vand.u32 $0xFFFF0000, v32;
	v31 =	vadd.f32 v33, v37;
	v32 =	vadd.f32 v34, v38;
	v30 =	vld [tilespmem:s20+$0x9630]  }
0x104: {  	v33 =	vshll.u32 v23, $0x10;
	v20 =	vadd.f32 v20, v24;
	v21 =	vadd.f32 v21, v25  }
0x105: {  	v60 =	vand.u32 $0xFFFF0000, v23;
	v61 =	vld [tilespmem:s20+$0x9670];
	v14 =	vadd.f32 v14, v31;
	v15 =	vadd.f32 v15, v32  }
0x106: {  	v36 =	vld [tilespmem:s20+$0x96F0];
	v62 =	vshll.u32 v22, $0x10;
	v13 =	vadd.f32 v13, v20;
	v16 =	vadd.f32 v16, v21  }
0x107: {  	v39 =	vld [tilespmem:s20+$0x9730];
	v63 =	vand.u32 $0xFFFF0000, v22;
	v10 =	vadd.f32 v10, v14;
	v11 =	vadd.f32 v11, v15  }
0x108: {  	v6 =	vadd.f32 v62, v6;
	v34 =	vadd.f32 v63, v19;
	v32 =	vshll.u32 v30, $0x10  }
0x109: {  	v31 =	vld [tilespmem:s20+$0x96B0];
	v9 =	vadd.f32 v9, v13;
	v12 =	vadd.f32 v12, v16;
	v35 =	vand.u32 $0xFFFF0000, v30  }
0x10a: {  	v14 =	vadd.f32 v32, v17;
	v15 =	vadd.f32 v35, v18;
	v37 =	vshll.u32 v61, $0x10  }
0x10b: {  	v42 =	vld [tilespmem:s20+$0x9770];
	v6 =	vadd.f32 v33, v6;
	v13 =	vadd.f32 v60, v34;
	v38 =	vand.u32 $0xFFFF0000, v61  }
0x10c: {  	v43 =	vshll.u32 v36, $0x10;
	v16 =	vand.u32 $0xFFFF0000, v36;
	v45 =	vshll.u32 v39, $0x10  }
0x10d: {  	v44 =	vld [tilespmem:s20+$0x97B0];
	v47 =	vand.u32 $0xFFFF0000, v39;
	v14 =	vadd.f32 v37, v14;
	v6 =	vadd.f32 v28, v6  }
0x10e: {  	v40 =	vshll.u32 v31, $0x10;
	v15 =	vadd.f32 v38, v15;
	v13 =	vadd.f32 v29, v13  }
0x10f: {  	v41 =	vand.u32 $0xFFFF0000, v31;
	v14 =	vadd.f32 v40, v14;
	v6 =	vadd.f32 v26, v6  }
0x110: {  	v49 =	vshll.u32 v42, $0x10;
	v15 =	vadd.f32 v41, v15;
	v13 =	vadd.f32 v27, v13  }
0x111: {  	v50 =	vld [tilespmem:s20+$0x97F0];
	v51 =	vand.u32 $0xFFFF0000, v42;
	v14 =	vadd.f32 v43, v14;
	v6 =	vadd.f32 v7, v6  }
0x112: {  	v53 =	vshll.u32 v44, $0x10;
	v15 =	vadd.f32 v16, v15;
	v46 =	vadd.f32 v8, v13  }
0x113: {  	v54 =	vmul.f32 $4.999999890e-03, v10;
	v48 =	vadd.f32 v45, v14;
	v4 =	vadd.f32 v4, v6  }
0x114: {  	v55 =	vand.u32 $0xFFFF0000, v44;
	v8 =	vadd.f32 v47, v15;
	v5 =	vadd.f32 v5, v46  }
0x115: {  	s19 =	sshll.u32 s19, $0x7;
	v56 =	vmul.f32 $4.999999890e-03, v11;
	v52 =	vadd.f32 v49, v48;
	v2 =	vadd.f32 v2, v4  }
0x116: {  	s19 =	sand.u32 $0x3FFFFF80, s19;
	v58 =	vshll.u32 v50, $0x10;
	v6 =	vadd.f32 v51, v8;
	v3 =	vadd.f32 v3, v5  }
0x117: {  	v57 =	vmul.f32 $4.999999890e-03, v9;
	[tilespmem:s19+$0xC800] =	vst v54;
	v7 =	vadd.f32 v53, v52;
	v1 =	vadd.f32 v1, v2  }
0x118: {  	s18 =	sadd.s32 $0x1, s18;
	v59 =	vmul.f32 $4.999999890e-03, v12;
	[tilespmem:s19+$0xC840] =	vst v56;
	v5 =	vadd.f32 v55, v6;
	v0 =	vadd.f32 v0, v3  }
0x119: {  	p0 =	sne.s32 s18, $0x40;
	v60 =	vand.u32 $0xFFFF0000, v50;
	[tilespmem:s19+$0xC810] =	vst v57;
	v4 =	vadd.f32 v58, v7;
	v1 =	vmul.f32 $4.999999890e-03, v1  }
.Ltmp3:
0x11a: {  	[tilespmem:s19+$0xC850] =	vst v59;
	v61 =	vadd.f32 v60, v5;
	v0 =	vmul.f32 $4.999999890e-03, v0;
	(pc) =	sbr.rel @p0 .LBB2_4-.Ltmp3, $4  }
0x11b: {  	[tilespmem:s19+$0xC820] =	vst v1;
	v62 =	vmul.f32 $4.999999890e-03, v4  }
0x11c: {  	[tilespmem:s19+$0xC860] =	vst v0;
	v63 =	vmul.f32 $4.999999890e-03, v61  }
0x11d: {  	[tilespmem:s19+$0xC830] =	vst v62  }
0x11e: {  	[tilespmem:s19+$0xC870] =	vst v63  }
0x11f: {  	s17 =	sadd.s32 $0x1, s17  }
0x120: {  	p0 =	sne.s32 s17, s6  }
.Ltmp4:
0x121: {  	_ = 	snop;
	(pc) =	sbr.rel @p0 .LBB2_1-.Ltmp4, $4  }
0x122: {  	[hbm4b:s5+s2] =	stream.linear.scatter [tilespmem:s16], [sflag:$0x3], $0x4000, $0x38;
	[tilespmem:$0x10800] =	vst v63  }
0x123: {  	_ =	swait.ge [sflag:s7], $0x4000  }
0x124: {  	[sflag:s7] =	ssyncset.done $0x0  }
0x125: {  	[sflag:s7] =	ssyncadd.s32 $0xFFFFC000  }
0x126: {  	_ =	sfence.sel $0x180000  }
0x127: {  	[bflag:$0x0] =	sbarrier.arrive $0xFFFF  }
0x128: {  	p0 =	sne.s32 s0, $0x0;
	_ =	strace $0x90000047  }
0x129: {  	s0 =	sadd.s32 @!p0 $0x100000, s1;
	[bflag:$0x2] =	sbarrier.arrive $0xFFFF  }
0x12a: {  	[sflag:s0] =	ssyncadd.tile.s32 @!p0 $0x1;
	_ =	shalt  }
.Lfunc_end2:
_tile_overlayer_lowered:
.L_overlay_start_2:
0x12b: {  	(tag) =	ssettag $0x2  }
0x12c: {  	s0 =	rddreg [dreg:$0x0];
	s2 =	stileid.u32  }
0x12d: {  	s1 =	rddreg [dreg:$0x1];
	p0 =	sne.s32 s2, $0x0  }
0x12e: {  	s3 =	rddreg [dreg:$0x2];
	[bflag:$0x3] =	sbarrier.arrive $0xFFFF;
	s2 =	simm.s32 @!p0 $0x1C03  }
0x12f: {  	[timem:s3], [sflag:s2] =	dma.local @!p0 [hbm:s0], s1  }
0x130: {  	s0 =	simm.s32 @!p0 $0x3  }
0x131: {  	_ =	swait.ge @!p0 [sflag:s0], s1  }
0x132: {  	s1 =	ssub.s32 @!p0 $0x0, s1;
	[sflag:s0] =	ssyncset.done @!p0 $0x0  }
0x133: {  	[sflag:s0] =	ssyncadd.s32 @!p0 s1  }
0x134: {  	[bflag:$0x3] =	sbarrier.arrive $0xFFFF  }
0x135: {  	_ =	shalt  }

</sc_bundles>
